<compile_context>
chip_gen: v7x
topology: tpu7x:2x2x1
jax: 0.10.2.dev20260603
libtpu: 0.0.44.dev20260713+nightly
codegen_flags: <defaults>
</compile_context>

<pallas_src>
import jax
import jax.numpy as jnp
from jax import lax
from jax.experimental import pallas as pl
from jax.experimental.pallas import tpu as pltpu
from jax.experimental.pallas import tpu_sc as plsc

NC = 2
NS = 16
NW = NC * NS
L = 16

D = 64
T = 50
BPC = 8
G = BPC * T


def _sc_avg_gather(idxf_hbm, idxt_hbm, from_hbm, to_hbm, out_hbm,
                   idxf_v, idxt_v, rows_f, rows_t,
                   gsf0, gsf1, gst0, gst1, ws0, ws1):
    ngath = idxf_hbm.shape[1]
    wid = lax.axis_index("s") * NC + lax.axis_index("c")
    base_g = wid * ngath
    gsf = [gsf0, gsf1]
    gst = [gst0, gst1]
    ws = [ws0, ws1]

    pltpu.sync_copy(idxf_hbm.at[wid], idxf_v)
    pltpu.sync_copy(idxt_hbm.at[wid], idxt_v)

    def issue_gathers(j, p):
        pltpu.async_copy(from_hbm.at[idxf_v.at[j]], rows_f.at[p], gsf[p])
        pltpu.async_copy(to_hbm.at[idxt_v.at[j]], rows_t.at[p], gst[p])

    def wait_gathers(j, p):
        pltpu.make_async_copy(from_hbm.at[idxf_v.at[j]], rows_f.at[p], gsf[p]).wait()
        pltpu.make_async_copy(to_hbm.at[idxt_v.at[j]], rows_t.at[p], gst[p]).wait()

    def issue_writeout(j, p):
        b0 = (base_g + j) * BPC
        for i in range(BPC):
            pltpu.async_copy(rows_f.at[p, pl.ds(i * T, T)], out_hbm.at[b0 + i],
                             ws[p])

    def wait_writeout(j, p):
        b0 = (base_g + j) * BPC
        for i in range(BPC):
            pltpu.make_async_copy(rows_f.at[p, pl.ds(i * T, T)],
                                  out_hbm.at[b0 + i], ws[p]).wait()

    def compute(p):
        rf = rows_f.at[p]
        rt = rows_t.at[p]

        def row(r, c2):
            for c in range(D // L):
                a = rf[r, pl.ds(c * L, L)]
                b = rt[r, pl.ds(c * L, L)]
                rf[r, pl.ds(c * L, L)] = (a + b) * 0.5
            return c2

        lax.fori_loop(0, G, row, 0)

    issue_gathers(0, 0)

    def step(j2, carry):
        j = 2 * j2
        wait_gathers(j, 0)

        @pl.when(j2 > 0)
        def _():
            wait_writeout(j - 1, 1)

        issue_gathers(j + 1, 1)
        compute(0)
        issue_writeout(j, 0)

        wait_gathers(j + 1, 1)
        wait_writeout(j, 0)

        @pl.when(j2 < ngath // 2 - 1)
        def _():
            issue_gathers(j + 2, 0)

        compute(1)
        issue_writeout(j + 1, 1)
        return carry

    lax.fori_loop(0, ngath // 2, step, 0)
    wait_writeout(ngath - 1, 1)


@jax.jit
def _run(idx_f, idx_t, topo_from, topo_to):
    ngath = idx_f.shape[1]
    Bt = NW * ngath * BPC
    mesh = plsc.VectorSubcoreMesh(core_axis_name="c", subcore_axis_name="s",
                                  num_cores=NC, num_subcores=NS)
    k = pl.kernel(
        _sc_avg_gather,
        out_type=jax.ShapeDtypeStruct((Bt, T, D), jnp.float32),
        mesh=mesh,
        compiler_params=pltpu.CompilerParams(use_tc_tiling_on_sc=False),
        scratch_types=[
            pltpu.VMEM((ngath, G), jnp.int32),
            pltpu.VMEM((ngath, G), jnp.int32),
            pltpu.VMEM((2, G, D), jnp.float32),
            pltpu.VMEM((2, G, D), jnp.float32),
            pltpu.SemaphoreType.DMA,
            pltpu.SemaphoreType.DMA,
            pltpu.SemaphoreType.DMA,
            pltpu.SemaphoreType.DMA,
            pltpu.SemaphoreType.DMA,
            pltpu.SemaphoreType.DMA,
        ],
    )
    return k(idx_f, idx_t, topo_from, topo_to)


def kernel(input, positions, topo_from, topo_to):
    Bt, Tt, _ = positions.shape
    B = Bt * Tt
    idx_f = positions[:, :, -2].reshape(NW, B // (NW * G), G).astype(jnp.int32)
    idx_t = positions[:, :, -1].reshape(NW, B // (NW * G), G).astype(jnp.int32)
    return _run(idx_f, idx_t, topo_from, topo_to)

# --- scband reference (transcript-rebuilt; emitter-appended) ---
"""Pipeline reference for scband-lattice-positional-embedding-75256416961208 (READ-ONLY COPY).

The authoritative reference and input builder live on the scoring server;
editing this copy changes nothing except your own understanding.
"""

import jax, jax.numpy as jnp
import numpy as np

NUM_EMBEDDINGS = 100000
EMBEDDING_DIM = 64
PADDING_IDX = 1


def _make_table(key):
    w = jax.random.normal(key, (NUM_EMBEDDINGS, EMBEDDING_DIM), dtype=jnp.float32) * (EMBEDDING_DIM ** -0.5)
    w = w.at[PADDING_IDX].set(0.0)
    return w


def setup_inputs(seed: int = 0) -> dict:
    key = jax.random.key(seed)
    k1, k2, k3, k4 = jax.random.split(key, 4)
    input_ids = jax.random.randint(k1, (4096, 50), 0, NUM_EMBEDDINGS, dtype=jnp.int64 if jax.config.jax_enable_x64 else jnp.int32)
    positions = jax.random.randint(k2, (4096, 50, 2), 0, NUM_EMBEDDINGS, dtype=jnp.int64 if jax.config.jax_enable_x64 else jnp.int32)
    topo_from = _make_table(k3)
    topo_to = _make_table(k4)
    return {"input": input_ids, "positions": positions, "topo_from": topo_from, "topo_to": topo_to}


def reference(input, positions, topo_from, topo_to):
    # emb_from = topo_from(positions[:, :, -2]); emb_to = topo_to(positions[:, :, -1])
    idx_from = positions[:, :, -2]
    idx_to = positions[:, :, -1]
    emb_from = jnp.take(topo_from, idx_from, axis=0)
    emb_to = jnp.take(topo_to, idx_to, axis=0)
    return (emb_from + emb_to) / 2.0

if __name__ == "__main__":
    import jax
    _d = setup_inputs()
    print(jax.jit(kernel)(*tuple(_d.values())))

</pallas_src>

<mosaic_0001>
#map = affine_map<(d0, d1) -> (0, 0, 0)>
#map1 = affine_map<(d0, d1) -> (0, 0)>
module attributes {stable_mosaic.version = 14 : i64} {
  func.func @_sc_avg_gather(%arg0: i32, %arg1: i32, %arg2: memref<32x16x400xi32, #tpu.memory_space<hbm>>, %arg3: memref<32x16x400xi32, #tpu.memory_space<hbm>>, %arg4: memref<100000x64xf32, #tpu.memory_space<hbm>>, %arg5: memref<100000x64xf32, #tpu.memory_space<hbm>>, %arg6: memref<4096x50x64xf32, #tpu.memory_space<hbm>>, %arg7: memref<16x400xi32, #tpu.memory_space<vmem>>, %arg8: memref<16x400xi32, #tpu.memory_space<vmem>>, %arg9: memref<2x400x64xf32, #tpu.memory_space<vmem>>, %arg10: memref<2x400x64xf32, #tpu.memory_space<vmem>>, %arg11: memref<!tpu.dma_semaphore, #tpu.memory_space<semaphore_mem>>, %arg12: memref<!tpu.dma_semaphore, #tpu.memory_space<semaphore_mem>>, %arg13: memref<!tpu.dma_semaphore, #tpu.memory_space<semaphore_mem>>, %arg14: memref<!tpu.dma_semaphore, #tpu.memory_space<semaphore_mem>>, %arg15: memref<!tpu.dma_semaphore, #tpu.memory_space<semaphore_mem>>, %arg16: memref<!tpu.dma_semaphore, #tpu.memory_space<semaphore_mem>>) attributes {dimension_semantics = [#tpu.dimension_semantics<core_parallel>, #tpu.dimension_semantics<subcore_parallel>], iteration_bounds = array<i64: 2, 16>, scalar_prefetch = 0 : i64, scratch_operands = 10 : i64, tpu.core_type = #tpu.core_type<sc_vector_subcore>, window_params = [{transform_indices = #map}, {transform_indices = #map}, {transform_indices = #map1}, {transform_indices = #map1}, {transform_indices = #map}]} {
    %mul3A = arith.constant 2 : i32
    %mul3A_0 = arith.muli %arg1, %mul3A : i32
    %add3A = arith.addi %mul3A_0, %arg0 : i32
    %mul3A_1 = arith.constant 16 : i32
    %mul3A_2 = arith.muli %add3A, %mul3A_1 : i32
    "tpu.region"() ({
      %run_scoped3A = tpu.sem_alloc : memref<!tpu.dma_semaphore, #tpu.memory_space<semaphore_mem>>
      %dma_start3A_186 = arith.constant 0 : i32
      %dma_start3A_187 = arith.constant 0 : i32
      %dma_start3A_188 = tpu.memref_slice %arg2[%add3A, %dma_start3A_186, %dma_start3A_187] : memref<32x16x400xi32, #tpu.memory_space<hbm>> -> memref<1x16x400xi32, #tpu.memory_space<hbm>>
      %dma_start3A_189 = tpu.memref_squeeze %dma_start3A_188 : memref<1x16x400xi32, #tpu.memory_space<hbm>> -> memref<16x400xi32, #tpu.memory_space<hbm>>
      %dma_start3A_190 = arith.constant 0 : i32
      %dma_start3A_191 = arith.constant 0 : i32
      %dma_start3A_192 = tpu.memref_slice %arg2[%add3A, %dma_start3A_190, %dma_start3A_191] : memref<32x16x400xi32, #tpu.memory_space<hbm>> -> memref<1x16x400xi32, #tpu.memory_space<hbm>>
      %dma_start3A_193 = tpu.memref_squeeze %dma_start3A_192 : memref<1x16x400xi32, #tpu.memory_space<hbm>> -> memref<16x400xi32, #tpu.memory_space<hbm>>
      tpu.enqueue_dma source(%dma_start3A_193 : memref<16x400xi32, #tpu.memory_space<hbm>>) target(%arg7 : memref<16x400xi32, #tpu.memory_space<vmem>>) target_semaphore(%run_scoped3A : memref<!tpu.dma_semaphore, #tpu.memory_space<semaphore_mem>>)
      %dma_wait3A_194 = arith.constant 0 : i32
      %dma_wait3A_195 = arith.constant 0 : i32
      %dma_wait3A_196 = tpu.memref_slice %arg2[%add3A, %dma_wait3A_194, %dma_wait3A_195] : memref<32x16x400xi32, #tpu.memory_space<hbm>> -> memref<1x16x400xi32, #tpu.memory_space<hbm>>
      %dma_wait3A_197 = tpu.memref_squeeze %dma_wait3A_196 : memref<1x16x400xi32, #tpu.memory_space<hbm>> -> memref<16x400xi32, #tpu.memory_space<hbm>>
      %dma_wait3A_198 = arith.constant 0 : i32
      %dma_wait3A_199 = arith.constant 0 : i32
      %dma_wait3A_200 = tpu.memref_slice %arg2[%add3A, %dma_wait3A_198, %dma_wait3A_199] : memref<32x16x400xi32, #tpu.memory_space<hbm>> -> memref<1x16x400xi32, #tpu.memory_space<hbm>>
      %dma_wait3A_201 = tpu.memref_squeeze %dma_wait3A_200 : memref<1x16x400xi32, #tpu.memory_space<hbm>> -> memref<16x400xi32, #tpu.memory_space<hbm>>
      tpu.wait_dma2 semaphore(%run_scoped3A : memref<!tpu.dma_semaphore, #tpu.memory_space<semaphore_mem>>) src(%dma_wait3A_201 : memref<16x400xi32, #tpu.memory_space<hbm>>) dst(%arg7 : memref<16x400xi32, #tpu.memory_space<vmem>>)
      tpu.yield
    }) : () -> ()
    "tpu.region"() ({
      %run_scoped3A = tpu.sem_alloc : memref<!tpu.dma_semaphore, #tpu.memory_space<semaphore_mem>>
      %dma_start3A_186 = arith.constant 0 : i32
      %dma_start3A_187 = arith.constant 0 : i32
      %dma_start3A_188 = tpu.memref_slice %arg3[%add3A, %dma_start3A_186, %dma_start3A_187] : memref<32x16x400xi32, #tpu.memory_space<hbm>> -> memref<1x16x400xi32, #tpu.memory_space<hbm>>
      %dma_start3A_189 = tpu.memref_squeeze %dma_start3A_188 : memref<1x16x400xi32, #tpu.memory_space<hbm>> -> memref<16x400xi32, #tpu.memory_space<hbm>>
      %dma_start3A_190 = arith.constant 0 : i32
      %dma_start3A_191 = arith.constant 0 : i32
      %dma_start3A_192 = tpu.memref_slice %arg3[%add3A, %dma_start3A_190, %dma_start3A_191] : memref<32x16x400xi32, #tpu.memory_space<hbm>> -> memref<1x16x400xi32, #tpu.memory_space<hbm>>
      %dma_start3A_193 = tpu.memref_squeeze %dma_start3A_192 : memref<1x16x400xi32, #tpu.memory_space<hbm>> -> memref<16x400xi32, #tpu.memory_space<hbm>>
      tpu.enqueue_dma source(%dma_start3A_193 : memref<16x400xi32, #tpu.memory_space<hbm>>) target(%arg8 : memref<16x400xi32, #tpu.memory_space<vmem>>) target_semaphore(%run_scoped3A : memref<!tpu.dma_semaphore, #tpu.memory_space<semaphore_mem>>)
      %dma_wait3A_194 = arith.constant 0 : i32
      %dma_wait3A_195 = arith.constant 0 : i32
      %dma_wait3A_196 = tpu.memref_slice %arg3[%add3A, %dma_wait3A_194, %dma_wait3A_195] : memref<32x16x400xi32, #tpu.memory_space<hbm>> -> memref<1x16x400xi32, #tpu.memory_space<hbm>>
      %dma_wait3A_197 = tpu.memref_squeeze %dma_wait3A_196 : memref<1x16x400xi32, #tpu.memory_space<hbm>> -> memref<16x400xi32, #tpu.memory_space<hbm>>
      %dma_wait3A_198 = arith.constant 0 : i32
      %dma_wait3A_199 = arith.constant 0 : i32
      %dma_wait3A_200 = tpu.memref_slice %arg3[%add3A, %dma_wait3A_198, %dma_wait3A_199] : memref<32x16x400xi32, #tpu.memory_space<hbm>> -> memref<1x16x400xi32, #tpu.memory_space<hbm>>
      %dma_wait3A_201 = tpu.memref_squeeze %dma_wait3A_200 : memref<1x16x400xi32, #tpu.memory_space<hbm>> -> memref<16x400xi32, #tpu.memory_space<hbm>>
      tpu.wait_dma2 semaphore(%run_scoped3A : memref<!tpu.dma_semaphore, #tpu.memory_space<semaphore_mem>>) src(%dma_wait3A_201 : memref<16x400xi32, #tpu.memory_space<hbm>>) dst(%arg8 : memref<16x400xi32, #tpu.memory_space<vmem>>)
      tpu.yield
    }) : () -> ()
    %dma_start3A = arith.constant 0 : i32
    %dma_start3A_3 = arith.constant 0 : i32
    %dma_start3A_4 = arith.constant 0 : i32
    %dma_start3A_5 = arith.constant 0 : i32
    %dma_start3A_6 = tpu.memref_slice %arg9[%dma_start3A_3, %dma_start3A_4, %dma_start3A_5] : memref<2x400x64xf32, #tpu.memory_space<vmem>> -> memref<1x400x64xf32, #tpu.memory_space<vmem>>
    %dma_start3A_7 = tpu.memref_squeeze %dma_start3A_6 : memref<1x400x64xf32, #tpu.memory_space<vmem>> -> memref<400x64xf32, #tpu.memory_space<vmem>>
    %dma_start3A_8 = arith.constant 0 : i32
    %dma_start3A_9 = tpu.memref_slice %arg7[%dma_start3A, %dma_start3A_8] : memref<16x400xi32, #tpu.memory_space<vmem>> -> memref<1x400xi32, #tpu.memory_space<vmem>>
    %dma_start3A_10 = tpu.memref_squeeze %dma_start3A_9 : memref<1x400xi32, #tpu.memory_space<vmem>> -> memref<400xi32, #tpu.memory_space<vmem>>
    %dma_start3A_11 = arith.constant 0 : i32
    %dma_start3A_12 = arith.constant 0 : i32
    %dma_start3A_13 = tpu.memref_slice %arg4[%dma_start3A_11, %dma_start3A_12] : memref<100000x64xf32, #tpu.memory_space<hbm>> -> memref<100000x64xf32, #tpu.memory_space<hbm>>
    tpu.enqueue_indirect_dma source(%dma_start3A_13 : memref<100000x64xf32, #tpu.memory_space<hbm>>) target(%dma_start3A_7 : memref<400x64xf32, #tpu.memory_space<vmem>>) offsets(%dma_start3A_10 : memref<400xi32, #tpu.memory_space<vmem>>) semaphore(%arg11 : memref<!tpu.dma_semaphore, #tpu.memory_space<semaphore_mem>>)
    %dma_start3A_14 = arith.constant 0 : i32
    %dma_start3A_15 = arith.constant 0 : i32
    %dma_start3A_16 = arith.constant 0 : i32
    %dma_start3A_17 = arith.constant 0 : i32
    %dma_start3A_18 = tpu.memref_slice %arg10[%dma_start3A_15, %dma_start3A_16, %dma_start3A_17] : memref<2x400x64xf32, #tpu.memory_space<vmem>> -> memref<1x400x64xf32, #tpu.memory_space<vmem>>
    %dma_start3A_19 = tpu.memref_squeeze %dma_start3A_18 : memref<1x400x64xf32, #tpu.memory_space<vmem>> -> memref<400x64xf32, #tpu.memory_space<vmem>>
    %dma_start3A_20 = arith.constant 0 : i32
    %dma_start3A_21 = tpu.memref_slice %arg8[%dma_start3A_14, %dma_start3A_20] : memref<16x400xi32, #tpu.memory_space<vmem>> -> memref<1x400xi32, #tpu.memory_space<vmem>>
    %dma_start3A_22 = tpu.memref_squeeze %dma_start3A_21 : memref<1x400xi32, #tpu.memory_space<vmem>> -> memref<400xi32, #tpu.memory_space<vmem>>
    %dma_start3A_23 = arith.constant 0 : i32
    %dma_start3A_24 = arith.constant 0 : i32
    %dma_start3A_25 = tpu.memref_slice %arg5[%dma_start3A_23, %dma_start3A_24] : memref<100000x64xf32, #tpu.memory_space<hbm>> -> memref<100000x64xf32, #tpu.memory_space<hbm>>
    tpu.enqueue_indirect_dma source(%dma_start3A_25 : memref<100000x64xf32, #tpu.memory_space<hbm>>) target(%dma_start3A_19 : memref<400x64xf32, #tpu.memory_space<vmem>>) offsets(%dma_start3A_22 : memref<400xi32, #tpu.memory_space<vmem>>) semaphore(%arg13 : memref<!tpu.dma_semaphore, #tpu.memory_space<semaphore_mem>>)
    %scan3A = arith.constant 0 : i32
    %scan3A_26 = arith.constant 0 : i32
    %scan3A_27 = arith.constant 8 : i32
    %scan3A_28 = arith.addi %scan3A_26, %scan3A_27 : i32
    %scan3A_29 = arith.constant 1 : i32
    scf.for %scan3A_186 = %scan3A_26 to %scan3A_28 step %scan3A_29  : i32 {
      %mul3A_187 = arith.constant 2 : i32
      %mul3A_188 = arith.muli %mul3A_187, %scan3A_186 : i32
      %dma_wait3A_189 = arith.constant 0 : i32
      %dma_wait3A_190 = arith.constant 0 : i32
      %dma_wait3A_191 = arith.constant 0 : i32
      %dma_wait3A_192 = tpu.memref_slice %arg9[%dma_wait3A_189, %dma_wait3A_190, %dma_wait3A_191] : memref<2x400x64xf32, #tpu.memory_space<vmem>> -> memref<1x400x64xf32, #tpu.memory_space<vmem>>
      %dma_wait3A_193 = tpu.memref_squeeze %dma_wait3A_192 : memref<1x400x64xf32, #tpu.memory_space<vmem>> -> memref<400x64xf32, #tpu.memory_space<vmem>>
      %dma_wait3A_194 = arith.constant 0 : i32
      %dma_wait3A_195 = tpu.memref_slice %arg7[%mul3A_188, %dma_wait3A_194] : memref<16x400xi32, #tpu.memory_space<vmem>> -> memref<1x400xi32, #tpu.memory_space<vmem>>
      %dma_wait3A_196 = tpu.memref_squeeze %dma_wait3A_195 : memref<1x400xi32, #tpu.memory_space<vmem>> -> memref<400xi32, #tpu.memory_space<vmem>>
      %dma_wait3A_197 = arith.constant 0 : i32
      %dma_wait3A_198 = arith.constant 0 : i32
      %dma_wait3A_199 = tpu.memref_slice %arg4[%dma_wait3A_197, %dma_wait3A_198] : memref<100000x64xf32, #tpu.memory_space<hbm>> -> memref<100000x64xf32, #tpu.memory_space<hbm>>
      tpu.wait_indirect_dma semaphore(%arg11 : memref<!tpu.dma_semaphore, #tpu.memory_space<semaphore_mem>>) src(%dma_wait3A_199 : memref<100000x64xf32, #tpu.memory_space<hbm>>) dst(%dma_wait3A_193 : memref<400x64xf32, #tpu.memory_space<vmem>>)
      %dma_wait3A_200 = arith.constant 0 : i32
      %dma_wait3A_201 = arith.constant 0 : i32
      %dma_wait3A_202 = arith.constant 0 : i32
      %dma_wait3A_203 = tpu.memref_slice %arg10[%dma_wait3A_200, %dma_wait3A_201, %dma_wait3A_202] : memref<2x400x64xf32, #tpu.memory_space<vmem>> -> memref<1x400x64xf32, #tpu.memory_space<vmem>>
      %dma_wait3A_204 = tpu.memref_squeeze %dma_wait3A_203 : memref<1x400x64xf32, #tpu.memory_space<vmem>> -> memref<400x64xf32, #tpu.memory_space<vmem>>
      %dma_wait3A_205 = arith.constant 0 : i32
      %dma_wait3A_206 = tpu.memref_slice %arg8[%mul3A_188, %dma_wait3A_205] : memref<16x400xi32, #tpu.memory_space<vmem>> -> memref<1x400xi32, #tpu.memory_space<vmem>>
      %dma_wait3A_207 = tpu.memref_squeeze %dma_wait3A_206 : memref<1x400xi32, #tpu.memory_space<vmem>> -> memref<400xi32, #tpu.memory_space<vmem>>
      %dma_wait3A_208 = arith.constant 0 : i32
      %dma_wait3A_209 = arith.constant 0 : i32
      %dma_wait3A_210 = tpu.memref_slice %arg5[%dma_wait3A_208, %dma_wait3A_209] : memref<100000x64xf32, #tpu.memory_space<hbm>> -> memref<100000x64xf32, #tpu.memory_space<hbm>>
      tpu.wait_indirect_dma semaphore(%arg13 : memref<!tpu.dma_semaphore, #tpu.memory_space<semaphore_mem>>) src(%dma_wait3A_210 : memref<100000x64xf32, #tpu.memory_space<hbm>>) dst(%dma_wait3A_204 : memref<400x64xf32, #tpu.memory_space<vmem>>)
      %gt3A = arith.constant 0 : i32
      %gt3A_211 = arith.cmpi sgt, %scan3A_186, %gt3A : i32
      %convert_element_type3A = arith.extui %gt3A_211 : i1 to i32
      %cond3A = arith.constant 0 : i32
      %cond3A_212 = arith.cmpi ne, %convert_element_type3A, %cond3A : i32
      scf.if %cond3A_212 {
        %sub3A = arith.constant 1 : i32
        %sub3A_748 = arith.subi %mul3A_188, %sub3A : i32
        %add3A_749 = arith.addi %mul3A_2, %sub3A_748 : i32
        %mul3A_750 = arith.constant 8 : i32
        %mul3A_751 = arith.muli %add3A_749, %mul3A_750 : i32
        %add3A_752 = arith.constant 0 : i32
        %add3A_753 = arith.addi %mul3A_751, %add3A_752 : i32
        %dma_wait3A_754 = arith.constant 1 : i32
        %dma_wait3A_755 = arith.constant 0 : i32
        %dma_wait3A_756 = arith.constant 0 : i32
        %dma_wait3A_757 = tpu.memref_slice %arg9[%dma_wait3A_754, %dma_wait3A_755, %dma_wait3A_756] : memref<2x400x64xf32, #tpu.memory_space<vmem>> -> memref<1x50x64xf32, #tpu.memory_space<vmem>>
        %dma_wait3A_758 = tpu.memref_squeeze %dma_wait3A_757 : memref<1x50x64xf32, #tpu.memory_space<vmem>> -> memref<50x64xf32, #tpu.memory_space<vmem>>
        %dma_wait3A_759 = arith.constant 0 : i32
        %dma_wait3A_760 = arith.constant 0 : i32
        %dma_wait3A_761 = tpu.memref_slice %arg6[%add3A_753, %dma_wait3A_759, %dma_wait3A_760] : memref<4096x50x64xf32, #tpu.memory_space<hbm>> -> memref<1x50x64xf32, #tpu.memory_space<hbm>>
        %dma_wait3A_762 = tpu.memref_squeeze %dma_wait3A_761 : memref<1x50x64xf32, #tpu.memory_space<hbm>> -> memref<50x64xf32, #tpu.memory_space<hbm>>
        %dma_wait3A_763 = arith.constant 0 : i32
        %dma_wait3A_764 = arith.constant 0 : i32
        %dma_wait3A_765 = tpu.memref_slice %arg6[%add3A_753, %dma_wait3A_763, %dma_wait3A_764] : memref<4096x50x64xf32, #tpu.memory_space<hbm>> -> memref<1x50x64xf32, #tpu.memory_space<hbm>>
        %dma_wait3A_766 = tpu.memref_squeeze %dma_wait3A_765 : memref<1x50x64xf32, #tpu.memory_space<hbm>> -> memref<50x64xf32, #tpu.memory_space<hbm>>
        %dma_wait3A_767 = arith.constant 0 : i32
        %dma_wait3A_768 = arith.constant 0 : i32
        %dma_wait3A_769 = tpu.memref_slice %arg9[%dma_wait3A_754, %dma_wait3A_767, %dma_wait3A_768] : memref<2x400x64xf32, #tpu.memory_space<vmem>> -> memref<1x50x64xf32, #tpu.memory_space<vmem>>
        %dma_wait3A_770 = tpu.memref_squeeze %dma_wait3A_769 : memref<1x50x64xf32, #tpu.memory_space<vmem>> -> memref<50x64xf32, #tpu.memory_space<vmem>>
        tpu.wait_dma2 semaphore(%arg16 : memref<!tpu.dma_semaphore, #tpu.memory_space<semaphore_mem>>) src(%dma_wait3A_770 : memref<50x64xf32, #tpu.memory_space<vmem>>) dst(%dma_wait3A_766 : memref<50x64xf32, #tpu.memory_space<hbm>>)
        %add3A_771 = arith.constant 1 : i32
        %add3A_772 = arith.addi %mul3A_751, %add3A_771 : i32
        %dma_wait3A_773 = arith.constant 1 : i32
        %dma_wait3A_774 = arith.constant 50 : i32
        %dma_wait3A_775 = arith.constant 0 : i32
        %dma_wait3A_776 = tpu.memref_slice %arg9[%dma_wait3A_773, %dma_wait3A_774, %dma_wait3A_775] : memref<2x400x64xf32, #tpu.memory_space<vmem>> -> memref<1x50x64xf32, #tpu.memory_space<vmem>>
        %dma_wait3A_777 = tpu.memref_squeeze %dma_wait3A_776 : memref<1x50x64xf32, #tpu.memory_space<vmem>> -> memref<50x64xf32, #tpu.memory_space<vmem>>
        %dma_wait3A_778 = arith.constant 0 : i32
        %dma_wait3A_779 = arith.constant 0 : i32
        %dma_wait3A_780 = tpu.memref_slice %arg6[%add3A_772, %dma_wait3A_778, %dma_wait3A_779] : memref<4096x50x64xf32, #tpu.memory_space<hbm>> -> memref<1x50x64xf32, #tpu.memory_space<hbm>>
        %dma_wait3A_781 = tpu.memref_squeeze %dma_wait3A_780 : memref<1x50x64xf32, #tpu.memory_space<hbm>> -> memref<50x64xf32, #tpu.memory_space<hbm>>
        %dma_wait3A_782 = arith.constant 0 : i32
        %dma_wait3A_783 = arith.constant 0 : i32
        %dma_wait3A_784 = tpu.memref_slice %arg6[%add3A_772, %dma_wait3A_782, %dma_wait3A_783] : memref<4096x50x64xf32, #tpu.memory_space<hbm>> -> memref<1x50x64xf32, #tpu.memory_space<hbm>>
        %dma_wait3A_785 = tpu.memref_squeeze %dma_wait3A_784 : memref<1x50x64xf32, #tpu.memory_space<hbm>> -> memref<50x64xf32, #tpu.memory_space<hbm>>
        %dma_wait3A_786 = arith.constant 50 : i32
        %dma_wait3A_787 = arith.constant 0 : i32
        %dma_wait3A_788 = tpu.memref_slice %arg9[%dma_wait3A_773, %dma_wait3A_786, %dma_wait3A_787] : memref<2x400x64xf32, #tpu.memory_space<vmem>> -> memref<1x50x64xf32, #tpu.memory_space<vmem>>
        %dma_wait3A_789 = tpu.memref_squeeze %dma_wait3A_788 : memref<1x50x64xf32, #tpu.memory_space<vmem>> -> memref<50x64xf32, #tpu.memory_space<vmem>>
        tpu.wait_dma2 semaphore(%arg16 : memref<!tpu.dma_semaphore, #tpu.memory_space<semaphore_mem>>) src(%dma_wait3A_789 : memref<50x64xf32, #tpu.memory_space<vmem>>) dst(%dma_wait3A_785 : memref<50x64xf32, #tpu.memory_space<hbm>>)
        %add3A_790 = arith.constant 2 : i32
        %add3A_791 = arith.addi %mul3A_751, %add3A_790 : i32
        %dma_wait3A_792 = arith.constant 1 : i32
        %dma_wait3A_793 = arith.constant 100 : i32
        %dma_wait3A_794 = arith.constant 0 : i32
        %dma_wait3A_795 = tpu.memref_slice %arg9[%dma_wait3A_792, %dma_wait3A_793, %dma_wait3A_794] : memref<2x400x64xf32, #tpu.memory_space<vmem>> -> memref<1x50x64xf32, #tpu.memory_space<vmem>>
        %dma_wait3A_796 = tpu.memref_squeeze %dma_wait3A_795 : memref<1x50x64xf32, #tpu.memory_space<vmem>> -> memref<50x64xf32, #tpu.memory_space<vmem>>
        %dma_wait3A_797 = arith.constant 0 : i32
        %dma_wait3A_798 = arith.constant 0 : i32
        %dma_wait3A_799 = tpu.memref_slice %arg6[%add3A_791, %dma_wait3A_797, %dma_wait3A_798] : memref<4096x50x64xf32, #tpu.memory_space<hbm>> -> memref<1x50x64xf32, #tpu.memory_space<hbm>>
        %dma_wait3A_800 = tpu.memref_squeeze %dma_wait3A_799 : memref<1x50x64xf32, #tpu.memory_space<hbm>> -> memref<50x64xf32, #tpu.memory_space<hbm>>
        %dma_wait3A_801 = arith.constant 0 : i32
        %dma_wait3A_802 = arith.constant 0 : i32
        %dma_wait3A_803 = tpu.memref_slice %arg6[%add3A_791, %dma_wait3A_801, %dma_wait3A_802] : memref<4096x50x64xf32, #tpu.memory_space<hbm>> -> memref<1x50x64xf32, #tpu.memory_space<hbm>>
        %dma_wait3A_804 = tpu.memref_squeeze %dma_wait3A_803 : memref<1x50x64xf32, #tpu.memory_space<hbm>> -> memref<50x64xf32, #tpu.memory_space<hbm>>
        %dma_wait3A_805 = arith.constant 100 : i32
        %dma_wait3A_806 = arith.constant 0 : i32
        %dma_wait3A_807 = tpu.memref_slice %arg9[%dma_wait3A_792, %dma_wait3A_805, %dma_wait3A_806] : memref<2x400x64xf32, #tpu.memory_space<vmem>> -> memref<1x50x64xf32, #tpu.memory_space<vmem>>
        %dma_wait3A_808 = tpu.memref_squeeze %dma_wait3A_807 : memref<1x50x64xf32, #tpu.memory_space<vmem>> -> memref<50x64xf32, #tpu.memory_space<vmem>>
        tpu.wait_dma2 semaphore(%arg16 : memref<!tpu.dma_semaphore, #tpu.memory_space<semaphore_mem>>) src(%dma_wait3A_808 : memref<50x64xf32, #tpu.memory_space<vmem>>) dst(%dma_wait3A_804 : memref<50x64xf32, #tpu.memory_space<hbm>>)
        %add3A_809 = arith.constant 3 : i32
        %add3A_810 = arith.addi %mul3A_751, %add3A_809 : i32
        %dma_wait3A_811 = arith.constant 1 : i32
        %dma_wait3A_812 = arith.constant 150 : i32
        %dma_wait3A_813 = arith.constant 0 : i32
        %dma_wait3A_814 = tpu.memref_slice %arg9[%dma_wait3A_811, %dma_wait3A_812, %dma_wait3A_813] : memref<2x400x64xf32, #tpu.memory_space<vmem>> -> memref<1x50x64xf32, #tpu.memory_space<vmem>>
        %dma_wait3A_815 = tpu.memref_squeeze %dma_wait3A_814 : memref<1x50x64xf32, #tpu.memory_space<vmem>> -> memref<50x64xf32, #tpu.memory_space<vmem>>
        %dma_wait3A_816 = arith.constant 0 : i32
        %dma_wait3A_817 = arith.constant 0 : i32
        %dma_wait3A_818 = tpu.memref_slice %arg6[%add3A_810, %dma_wait3A_816, %dma_wait3A_817] : memref<4096x50x64xf32, #tpu.memory_space<hbm>> -> memref<1x50x64xf32, #tpu.memory_space<hbm>>
        %dma_wait3A_819 = tpu.memref_squeeze %dma_wait3A_818 : memref<1x50x64xf32, #tpu.memory_space<hbm>> -> memref<50x64xf32, #tpu.memory_space<hbm>>
        %dma_wait3A_820 = arith.constant 0 : i32
        %dma_wait3A_821 = arith.constant 0 : i32
        %dma_wait3A_822 = tpu.memref_slice %arg6[%add3A_810, %dma_wait3A_820, %dma_wait3A_821] : memref<4096x50x64xf32, #tpu.memory_space<hbm>> -> memref<1x50x64xf32, #tpu.memory_space<hbm>>
        %dma_wait3A_823 = tpu.memref_squeeze %dma_wait3A_822 : memref<1x50x64xf32, #tpu.memory_space<hbm>> -> memref<50x64xf32, #tpu.memory_space<hbm>>
        %dma_wait3A_824 = arith.constant 150 : i32
        %dma_wait3A_825 = arith.constant 0 : i32
        %dma_wait3A_826 = tpu.memref_slice %arg9[%dma_wait3A_811, %dma_wait3A_824, %dma_wait3A_825] : memref<2x400x64xf32, #tpu.memory_space<vmem>> -> memref<1x50x64xf32, #tpu.memory_space<vmem>>
        %dma_wait3A_827 = tpu.memref_squeeze %dma_wait3A_826 : memref<1x50x64xf32, #tpu.memory_space<vmem>> -> memref<50x64xf32, #tpu.memory_space<vmem>>
        tpu.wait_dma2 semaphore(%arg16 : memref<!tpu.dma_semaphore, #tpu.memory_space<semaphore_mem>>) src(%dma_wait3A_827 : memref<50x64xf32, #tpu.memory_space<vmem>>) dst(%dma_wait3A_823 : memref<50x64xf32, #tpu.memory_space<hbm>>)
        %add3A_828 = arith.constant 4 : i32
        %add3A_829 = arith.addi %mul3A_751, %add3A_828 : i32
        %dma_wait3A_830 = arith.constant 1 : i32
        %dma_wait3A_831 = arith.constant 200 : i32
        %dma_wait3A_832 = arith.constant 0 : i32
        %dma_wait3A_833 = tpu.memref_slice %arg9[%dma_wait3A_830, %dma_wait3A_831, %dma_wait3A_832] : memref<2x400x64xf32, #tpu.memory_space<vmem>> -> memref<1x50x64xf32, #tpu.memory_space<vmem>>
        %dma_wait3A_834 = tpu.memref_squeeze %dma_wait3A_833 : memref<1x50x64xf32, #tpu.memory_space<vmem>> -> memref<50x64xf32, #tpu.memory_space<vmem>>
        %dma_wait3A_835 = arith.constant 0 : i32
        %dma_wait3A_836 = arith.constant 0 : i32
        %dma_wait3A_837 = tpu.memref_slice %arg6[%add3A_829, %dma_wait3A_835, %dma_wait3A_836] : memref<4096x50x64xf32, #tpu.memory_space<hbm>> -> memref<1x50x64xf32, #tpu.memory_space<hbm>>
        %dma_wait3A_838 = tpu.memref_squeeze %dma_wait3A_837 : memref<1x50x64xf32, #tpu.memory_space<hbm>> -> memref<50x64xf32, #tpu.memory_space<hbm>>
        %dma_wait3A_839 = arith.constant 0 : i32
        %dma_wait3A_840 = arith.constant 0 : i32
        %dma_wait3A_841 = tpu.memref_slice %arg6[%add3A_829, %dma_wait3A_839, %dma_wait3A_840] : memref<4096x50x64xf32, #tpu.memory_space<hbm>> -> memref<1x50x64xf32, #tpu.memory_space<hbm>>
        %dma_wait3A_842 = tpu.memref_squeeze %dma_wait3A_841 : memref<1x50x64xf32, #tpu.memory_space<hbm>> -> memref<50x64xf32, #tpu.memory_space<hbm>>
        %dma_wait3A_843 = arith.constant 200 : i32
        %dma_wait3A_844 = arith.constant 0 : i32
        %dma_wait3A_845 = tpu.memref_slice %arg9[%dma_wait3A_830, %dma_wait3A_843, %dma_wait3A_844] : memref<2x400x64xf32, #tpu.memory_space<vmem>> -> memref<1x50x64xf32, #tpu.memory_space<vmem>>
        %dma_wait3A_846 = tpu.memref_squeeze %dma_wait3A_845 : memref<1x50x64xf32, #tpu.memory_space<vmem>> -> memref<50x64xf32, #tpu.memory_space<vmem>>
        tpu.wait_dma2 semaphore(%arg16 : memref<!tpu.dma_semaphore, #tpu.memory_space<semaphore_mem>>) src(%dma_wait3A_846 : memref<50x64xf32, #tpu.memory_space<vmem>>) dst(%dma_wait3A_842 : memref<50x64xf32, #tpu.memory_space<hbm>>)
        %add3A_847 = arith.constant 5 : i32
        %add3A_848 = arith.addi %mul3A_751, %add3A_847 : i32
        %dma_wait3A_849 = arith.constant 1 : i32
        %dma_wait3A_850 = arith.constant 250 : i32
        %dma_wait3A_851 = arith.constant 0 : i32
        %dma_wait3A_852 = tpu.memref_slice %arg9[%dma_wait3A_849, %dma_wait3A_850, %dma_wait3A_851] : memref<2x400x64xf32, #tpu.memory_space<vmem>> -> memref<1x50x64xf32, #tpu.memory_space<vmem>>
        %dma_wait3A_853 = tpu.memref_squeeze %dma_wait3A_852 : memref<1x50x64xf32, #tpu.memory_space<vmem>> -> memref<50x64xf32, #tpu.memory_space<vmem>>
        %dma_wait3A_854 = arith.constant 0 : i32
        %dma_wait3A_855 = arith.constant 0 : i32
        %dma_wait3A_856 = tpu.memref_slice %arg6[%add3A_848, %dma_wait3A_854, %dma_wait3A_855] : memref<4096x50x64xf32, #tpu.memory_space<hbm>> -> memref<1x50x64xf32, #tpu.memory_space<hbm>>
        %dma_wait3A_857 = tpu.memref_squeeze %dma_wait3A_856 : memref<1x50x64xf32, #tpu.memory_space<hbm>> -> memref<50x64xf32, #tpu.memory_space<hbm>>
        %dma_wait3A_858 = arith.constant 0 : i32
        %dma_wait3A_859 = arith.constant 0 : i32
        %dma_wait3A_860 = tpu.memref_slice %arg6[%add3A_848, %dma_wait3A_858, %dma_wait3A_859] : memref<4096x50x64xf32, #tpu.memory_space<hbm>> -> memref<1x50x64xf32, #tpu.memory_space<hbm>>
        %dma_wait3A_861 = tpu.memref_squeeze %dma_wait3A_860 : memref<1x50x64xf32, #tpu.memory_space<hbm>> -> memref<50x64xf32, #tpu.memory_space<hbm>>
        %dma_wait3A_862 = arith.constant 250 : i32
        %dma_wait3A_863 = arith.constant 0 : i32
        %dma_wait3A_864 = tpu.memref_slice %arg9[%dma_wait3A_849, %dma_wait3A_862, %dma_wait3A_863] : memref<2x400x64xf32, #tpu.memory_space<vmem>> -> memref<1x50x64xf32, #tpu.memory_space<vmem>>
        %dma_wait3A_865 = tpu.memref_squeeze %dma_wait3A_864 : memref<1x50x64xf32, #tpu.memory_space<vmem>> -> memref<50x64xf32, #tpu.memory_space<vmem>>
        tpu.wait_dma2 semaphore(%arg16 : memref<!tpu.dma_semaphore, #tpu.memory_space<semaphore_mem>>) src(%dma_wait3A_865 : memref<50x64xf32, #tpu.memory_space<vmem>>) dst(%dma_wait3A_861 : memref<50x64xf32, #tpu.memory_space<hbm>>)
        %add3A_866 = arith.constant 6 : i32
        %add3A_867 = arith.addi %mul3A_751, %add3A_866 : i32
        %dma_wait3A_868 = arith.constant 1 : i32
        %dma_wait3A_869 = arith.constant 300 : i32
        %dma_wait3A_870 = arith.constant 0 : i32
        %dma_wait3A_871 = tpu.memref_slice %arg9[%dma_wait3A_868, %dma_wait3A_869, %dma_wait3A_870] : memref<2x400x64xf32, #tpu.memory_space<vmem>> -> memref<1x50x64xf32, #tpu.memory_space<vmem>>
        %dma_wait3A_872 = tpu.memref_squeeze %dma_wait3A_871 : memref<1x50x64xf32, #tpu.memory_space<vmem>> -> memref<50x64xf32, #tpu.memory_space<vmem>>
        %dma_wait3A_873 = arith.constant 0 : i32
        %dma_wait3A_874 = arith.constant 0 : i32
        %dma_wait3A_875 = tpu.memref_slice %arg6[%add3A_867, %dma_wait3A_873, %dma_wait3A_874] : memref<4096x50x64xf32, #tpu.memory_space<hbm>> -> memref<1x50x64xf32, #tpu.memory_space<hbm>>
        %dma_wait3A_876 = tpu.memref_squeeze %dma_wait3A_875 : memref<1x50x64xf32, #tpu.memory_space<hbm>> -> memref<50x64xf32, #tpu.memory_space<hbm>>
        %dma_wait3A_877 = arith.constant 0 : i32
        %dma_wait3A_878 = arith.constant 0 : i32
        %dma_wait3A_879 = tpu.memref_slice %arg6[%add3A_867, %dma_wait3A_877, %dma_wait3A_878] : memref<4096x50x64xf32, #tpu.memory_space<hbm>> -> memref<1x50x64xf32, #tpu.memory_space<hbm>>
        %dma_wait3A_880 = tpu.memref_squeeze %dma_wait3A_879 : memref<1x50x64xf32, #tpu.memory_space<hbm>> -> memref<50x64xf32, #tpu.memory_space<hbm>>
        %dma_wait3A_881 = arith.constant 300 : i32
        %dma_wait3A_882 = arith.constant 0 : i32
        %dma_wait3A_883 = tpu.memref_slice %arg9[%dma_wait3A_868, %dma_wait3A_881, %dma_wait3A_882] : memref<2x400x64xf32, #tpu.memory_space<vmem>> -> memref<1x50x64xf32, #tpu.memory_space<vmem>>
        %dma_wait3A_884 = tpu.memref_squeeze %dma_wait3A_883 : memref<1x50x64xf32, #tpu.memory_space<vmem>> -> memref<50x64xf32, #tpu.memory_space<vmem>>
        tpu.wait_dma2 semaphore(%arg16 : memref<!tpu.dma_semaphore, #tpu.memory_space<semaphore_mem>>) src(%dma_wait3A_884 : memref<50x64xf32, #tpu.memory_space<vmem>>) dst(%dma_wait3A_880 : memref<50x64xf32, #tpu.memory_space<hbm>>)
        %add3A_885 = arith.constant 7 : i32
        %add3A_886 = arith.addi %mul3A_751, %add3A_885 : i32
        %dma_wait3A_887 = arith.constant 1 : i32
        %dma_wait3A_888 = arith.constant 350 : i32
        %dma_wait3A_889 = arith.constant 0 : i32
        %dma_wait3A_890 = tpu.memref_slice %arg9[%dma_wait3A_887, %dma_wait3A_888, %dma_wait3A_889] : memref<2x400x64xf32, #tpu.memory_space<vmem>> -> memref<1x50x64xf32, #tpu.memory_space<vmem>>
        %dma_wait3A_891 = tpu.memref_squeeze %dma_wait3A_890 : memref<1x50x64xf32, #tpu.memory_space<vmem>> -> memref<50x64xf32, #tpu.memory_space<vmem>>
        %dma_wait3A_892 = arith.constant 0 : i32
        %dma_wait3A_893 = arith.constant 0 : i32
        %dma_wait3A_894 = tpu.memref_slice %arg6[%add3A_886, %dma_wait3A_892, %dma_wait3A_893] : memref<4096x50x64xf32, #tpu.memory_space<hbm>> -> memref<1x50x64xf32, #tpu.memory_space<hbm>>
        %dma_wait3A_895 = tpu.memref_squeeze %dma_wait3A_894 : memref<1x50x64xf32, #tpu.memory_space<hbm>> -> memref<50x64xf32, #tpu.memory_space<hbm>>
        %dma_wait3A_896 = arith.constant 0 : i32
        %dma_wait3A_897 = arith.constant 0 : i32
        %dma_wait3A_898 = tpu.memref_slice %arg6[%add3A_886, %dma_wait3A_896, %dma_wait3A_897] : memref<4096x50x64xf32, #tpu.memory_space<hbm>> -> memref<1x50x64xf32, #tpu.memory_space<hbm>>
        %dma_wait3A_899 = tpu.memref_squeeze %dma_wait3A_898 : memref<1x50x64xf32, #tpu.memory_space<hbm>> -> memref<50x64xf32, #tpu.memory_space<hbm>>
        %dma_wait3A_900 = arith.constant 350 : i32
        %dma_wait3A_901 = arith.constant 0 : i32
        %dma_wait3A_902 = tpu.memref_slice %arg9[%dma_wait3A_887, %dma_wait3A_900, %dma_wait3A_901] : memref<2x400x64xf32, #tpu.memory_space<vmem>> -> memref<1x50x64xf32, #tpu.memory_space<vmem>>
        %dma_wait3A_903 = tpu.memref_squeeze %dma_wait3A_902 : memref<1x50x64xf32, #tpu.memory_space<vmem>> -> memref<50x64xf32, #tpu.memory_space<vmem>>
        tpu.wait_dma2 semaphore(%arg16 : memref<!tpu.dma_semaphore, #tpu.memory_space<semaphore_mem>>) src(%dma_wait3A_903 : memref<50x64xf32, #tpu.memory_space<vmem>>) dst(%dma_wait3A_899 : memref<50x64xf32, #tpu.memory_space<hbm>>)
      } else {
      }
      %add3A_213 = arith.constant 1 : i32
      %add3A_214 = arith.addi %mul3A_188, %add3A_213 : i32
      %dma_start3A_215 = arith.constant 1 : i32
      %dma_start3A_216 = arith.constant 0 : i32
      %dma_start3A_217 = arith.constant 0 : i32
      %dma_start3A_218 = tpu.memref_slice %arg9[%dma_start3A_215, %dma_start3A_216, %dma_start3A_217] : memref<2x400x64xf32, #tpu.memory_space<vmem>> -> memref<1x400x64xf32, #tpu.memory_space<vmem>>
      %dma_start3A_219 = tpu.memref_squeeze %dma_start3A_218 : memref<1x400x64xf32, #tpu.memory_space<vmem>> -> memref<400x64xf32, #tpu.memory_space<vmem>>
      %dma_start3A_220 = arith.constant 0 : i32
      %dma_start3A_221 = tpu.memref_slice %arg7[%add3A_214, %dma_start3A_220] : memref<16x400xi32, #tpu.memory_space<vmem>> -> memref<1x400xi32, #tpu.memory_space<vmem>>
      %dma_start3A_222 = tpu.memref_squeeze %dma_start3A_221 : memref<1x400xi32, #tpu.memory_space<vmem>> -> memref<400xi32, #tpu.memory_space<vmem>>
      %dma_start3A_223 = arith.constant 0 : i32
      %dma_start3A_224 = arith.constant 0 : i32
      %dma_start3A_225 = tpu.memref_slice %arg4[%dma_start3A_223, %dma_start3A_224] : memref<100000x64xf32, #tpu.memory_space<hbm>> -> memref<100000x64xf32, #tpu.memory_space<hbm>>
      tpu.enqueue_indirect_dma source(%dma_start3A_225 : memref<100000x64xf32, #tpu.memory_space<hbm>>) target(%dma_start3A_219 : memref<400x64xf32, #tpu.memory_space<vmem>>) offsets(%dma_start3A_222 : memref<400xi32, #tpu.memory_space<vmem>>) semaphore(%arg12 : memref<!tpu.dma_semaphore, #tpu.memory_space<semaphore_mem>>)
      %dma_start3A_226 = arith.constant 1 : i32
      %dma_start3A_227 = arith.constant 0 : i32
      %dma_start3A_228 = arith.constant 0 : i32
      %dma_start3A_229 = tpu.memref_slice %arg10[%dma_start3A_226, %dma_start3A_227, %dma_start3A_228] : memref<2x400x64xf32, #tpu.memory_space<vmem>> -> memref<1x400x64xf32, #tpu.memory_space<vmem>>
      %dma_start3A_230 = tpu.memref_squeeze %dma_start3A_229 : memref<1x400x64xf32, #tpu.memory_space<vmem>> -> memref<400x64xf32, #tpu.memory_space<vmem>>
      %dma_start3A_231 = arith.constant 0 : i32
      %dma_start3A_232 = tpu.memref_slice %arg8[%add3A_214, %dma_start3A_231] : memref<16x400xi32, #tpu.memory_space<vmem>> -> memref<1x400xi32, #tpu.memory_space<vmem>>
      %dma_start3A_233 = tpu.memref_squeeze %dma_start3A_232 : memref<1x400xi32, #tpu.memory_space<vmem>> -> memref<400xi32, #tpu.memory_space<vmem>>
      %dma_start3A_234 = arith.constant 0 : i32
      %dma_start3A_235 = arith.constant 0 : i32
      %dma_start3A_236 = tpu.memref_slice %arg5[%dma_start3A_234, %dma_start3A_235] : memref<100000x64xf32, #tpu.memory_space<hbm>> -> memref<100000x64xf32, #tpu.memory_space<hbm>>
      tpu.enqueue_indirect_dma source(%dma_start3A_236 : memref<100000x64xf32, #tpu.memory_space<hbm>>) target(%dma_start3A_230 : memref<400x64xf32, #tpu.memory_space<vmem>>) offsets(%dma_start3A_233 : memref<400xi32, #tpu.memory_space<vmem>>) semaphore(%arg14 : memref<!tpu.dma_semaphore, #tpu.memory_space<semaphore_mem>>)
      %scan3A_237 = arith.constant 0 : i32
      %scan3A_238 = arith.constant 0 : i32
      %scan3A_239 = arith.constant 0 : i32
      %scan3A_240 = arith.constant 0 : i32
      %scan3A_241 = arith.constant 400 : i32
      %scan3A_242 = arith.addi %scan3A_240, %scan3A_241 : i32
      %scan3A_243 = arith.constant 1 : i32
      scf.for %scan3A_748 = %scan3A_240 to %scan3A_242 step %scan3A_243  : i32 {
        %get3A = arith.constant 0 : i32
        %get3A_749 = arith.constant 0 : i32
        %get3A_750 = tpu.memref_slice %arg9[%scan3A_238, %get3A, %get3A_749] : memref<2x400x64xf32, #tpu.memory_space<vmem>> -> memref<1x400x64xf32, #tpu.memory_space<vmem>>
        %get3A_751 = tpu.memref_squeeze %get3A_750 : memref<1x400x64xf32, #tpu.memory_space<vmem>> -> memref<400x64xf32, #tpu.memory_space<vmem>>
        %get3A_752 = arith.index_cast %scan3A_748 : i32 to index
        %get3A_753 = arith.constant 0 : index
        %get3A_754 = tpu.vector_load %get3A_751[%get3A_752, %get3A_753] {strides = array<i32>} : memref<400x64xf32, #tpu.memory_space<vmem>>, vector<1x16xf32>,
        %get3A_755 = vector.shape_cast %get3A_754 : vector<1x16xf32> to vector<16xf32>
        %get3A_756 = arith.constant 0 : i32
        %get3A_757 = arith.constant 0 : i32
        %get3A_758 = tpu.memref_slice %arg10[%scan3A_239, %get3A_756, %get3A_757] : memref<2x400x64xf32, #tpu.memory_space<vmem>> -> memref<1x400x64xf32, #tpu.memory_space<vmem>>
        %get3A_759 = tpu.memref_squeeze %get3A_758 : memref<1x400x64xf32, #tpu.memory_space<vmem>> -> memref<400x64xf32, #tpu.memory_space<vmem>>
        %get3A_760 = arith.index_cast %scan3A_748 : i32 to index
        %get3A_761 = arith.constant 0 : index
        %get3A_762 = tpu.vector_load %get3A_759[%get3A_760, %get3A_761] {strides = array<i32>} : memref<400x64xf32, #tpu.memory_space<vmem>>, vector<1x16xf32>,
        %get3A_763 = vector.shape_cast %get3A_762 : vector<1x16xf32> to vector<16xf32>
        %add3A_764 = arith.addf %get3A_755, %get3A_763 : vector<16xf32>
        %mul3A_765 = arith.constant 5.000000e-01 : f32
        %mul3A_766 = vector.broadcast %mul3A_765 : f32 to vector<16xf32>
        %mul3A_767 = arith.mulf %add3A_764, %mul3A_766 : vector<16xf32>
        %swap3A = arith.constant 0 : i32
        %swap3A_768 = arith.constant 0 : i32
        %swap3A_769 = tpu.memref_slice %arg9[%scan3A_238, %swap3A, %swap3A_768] : memref<2x400x64xf32, #tpu.memory_space<vmem>> -> memref<1x400x64xf32, #tpu.memory_space<vmem>>
        %swap3A_770 = tpu.memref_squeeze %swap3A_769 : memref<1x400x64xf32, #tpu.memory_space<vmem>> -> memref<400x64xf32, #tpu.memory_space<vmem>>
        %swap3A_771 = arith.index_cast %scan3A_748 : i32 to index
        %swap3A_772 = arith.constant 0 : index
        %swap3A_773 = tpu.vector_load %swap3A_770[%swap3A_771, %swap3A_772] {strides = array<i32>} : memref<400x64xf32, #tpu.memory_space<vmem>>, vector<1x16xf32>,
        %swap3A_774 = vector.shape_cast %swap3A_773 : vector<1x16xf32> to vector<16xf32>
        %swap3A_775 = vector.shape_cast %mul3A_767 : vector<16xf32> to vector<1x16xf32>
        tpu.vector_store %swap3A_770[%swap3A_771, %swap3A_772], %swap3A_775 {strides = array<i32>} : memref<400x64xf32, #tpu.memory_space<vmem>>, vector<1x16xf32>,
        %get3A_776 = arith.constant 0 : i32
        %get3A_777 = arith.constant 0 : i32
        %get3A_778 = tpu.memref_slice %arg9[%scan3A_238, %get3A_776, %get3A_777] : memref<2x400x64xf32, #tpu.memory_space<vmem>> -> memref<1x400x64xf32, #tpu.memory_space<vmem>>
        %get3A_779 = tpu.memref_squeeze %get3A_778 : memref<1x400x64xf32, #tpu.memory_space<vmem>> -> memref<400x64xf32, #tpu.memory_space<vmem>>
        %get3A_780 = arith.index_cast %scan3A_748 : i32 to index
        %get3A_781 = arith.constant 16 : index
        %get3A_782 = tpu.vector_load %get3A_779[%get3A_780, %get3A_781] {strides = array<i32>} : memref<400x64xf32, #tpu.memory_space<vmem>>, vector<1x16xf32>,
        %get3A_783 = vector.shape_cast %get3A_782 : vector<1x16xf32> to vector<16xf32>
        %get3A_784 = arith.constant 0 : i32
        %get3A_785 = arith.constant 0 : i32
        %get3A_786 = tpu.memref_slice %arg10[%scan3A_239, %get3A_784, %get3A_785] : memref<2x400x64xf32, #tpu.memory_space<vmem>> -> memref<1x400x64xf32, #tpu.memory_space<vmem>>
        %get3A_787 = tpu.memref_squeeze %get3A_786 : memref<1x400x64xf32, #tpu.memory_space<vmem>> -> memref<400x64xf32, #tpu.memory_space<vmem>>
        %get3A_788 = arith.index_cast %scan3A_748 : i32 to index
        %get3A_789 = arith.constant 16 : index
        %get3A_790 = tpu.vector_load %get3A_787[%get3A_788, %get3A_789] {strides = array<i32>} : memref<400x64xf32, #tpu.memory_space<vmem>>, vector<1x16xf32>,
        %get3A_791 = vector.shape_cast %get3A_790 : vector<1x16xf32> to vector<16xf32>
        %add3A_792 = arith.addf %get3A_783, %get3A_791 : vector<16xf32>
        %mul3A_793 = arith.constant 5.000000e-01 : f32
        %mul3A_794 = vector.broadcast %mul3A_793 : f32 to vector<16xf32>
        %mul3A_795 = arith.mulf %add3A_792, %mul3A_794 : vector<16xf32>
        %swap3A_796 = arith.constant 0 : i32
        %swap3A_797 = arith.constant 0 : i32
        %swap3A_798 = tpu.memref_slice %arg9[%scan3A_238, %swap3A_796, %swap3A_797] : memref<2x400x64xf32, #tpu.memory_space<vmem>> -> memref<1x400x64xf32, #tpu.memory_space<vmem>>
        %swap3A_799 = tpu.memref_squeeze %swap3A_798 : memref<1x400x64xf32, #tpu.memory_space<vmem>> -> memref<400x64xf32, #tpu.memory_space<vmem>>
        %swap3A_800 = arith.index_cast %scan3A_748 : i32 to index
        %swap3A_801 = arith.constant 16 : index
        %swap3A_802 = tpu.vector_load %swap3A_799[%swap3A_800, %swap3A_801] {strides = array<i32>} : memref<400x64xf32, #tpu.memory_space<vmem>>, vector<1x16xf32>,
        %swap3A_803 = vector.shape_cast %swap3A_802 : vector<1x16xf32> to vector<16xf32>
        %swap3A_804 = vector.shape_cast %mul3A_795 : vector<16xf32> to vector<1x16xf32>
        tpu.vector_store %swap3A_799[%swap3A_800, %swap3A_801], %swap3A_804 {strides = array<i32>} : memref<400x64xf32, #tpu.memory_space<vmem>>, vector<1x16xf32>,
        %get3A_805 = arith.constant 0 : i32
        %get3A_806 = arith.constant 0 : i32
        %get3A_807 = tpu.memref_slice %arg9[%scan3A_238, %get3A_805, %get3A_806] : memref<2x400x64xf32, #tpu.memory_space<vmem>> -> memref<1x400x64xf32, #tpu.memory_space<vmem>>
        %get3A_808 = tpu.memref_squeeze %get3A_807 : memref<1x400x64xf32, #tpu.memory_space<vmem>> -> memref<400x64xf32, #tpu.memory_space<vmem>>
        %get3A_809 = arith.index_cast %scan3A_748 : i32 to index
        %get3A_810 = arith.constant 32 : index
        %get3A_811 = tpu.vector_load %get3A_808[%get3A_809, %get3A_810] {strides = array<i32>} : memref<400x64xf32, #tpu.memory_space<vmem>>, vector<1x16xf32>,
        %get3A_812 = vector.shape_cast %get3A_811 : vector<1x16xf32> to vector<16xf32>
        %get3A_813 = arith.constant 0 : i32
        %get3A_814 = arith.constant 0 : i32
        %get3A_815 = tpu.memref_slice %arg10[%scan3A_239, %get3A_813, %get3A_814] : memref<2x400x64xf32, #tpu.memory_space<vmem>> -> memref<1x400x64xf32, #tpu.memory_space<vmem>>
        %get3A_816 = tpu.memref_squeeze %get3A_815 : memref<1x400x64xf32, #tpu.memory_space<vmem>> -> memref<400x64xf32, #tpu.memory_space<vmem>>
        %get3A_817 = arith.index_cast %scan3A_748 : i32 to index
        %get3A_818 = arith.constant 32 : index
        %get3A_819 = tpu.vector_load %get3A_816[%get3A_817, %get3A_818] {strides = array<i32>} : memref<400x64xf32, #tpu.memory_space<vmem>>, vector<1x16xf32>,
        %get3A_820 = vector.shape_cast %get3A_819 : vector<1x16xf32> to vector<16xf32>
        %add3A_821 = arith.addf %get3A_812, %get3A_820 : vector<16xf32>
        %mul3A_822 = arith.constant 5.000000e-01 : f32
        %mul3A_823 = vector.broadcast %mul3A_822 : f32 to vector<16xf32>
        %mul3A_824 = arith.mulf %add3A_821, %mul3A_823 : vector<16xf32>
        %swap3A_825 = arith.constant 0 : i32
        %swap3A_826 = arith.constant 0 : i32
        %swap3A_827 = tpu.memref_slice %arg9[%scan3A_238, %swap3A_825, %swap3A_826] : memref<2x400x64xf32, #tpu.memory_space<vmem>> -> memref<1x400x64xf32, #tpu.memory_space<vmem>>
        %swap3A_828 = tpu.memref_squeeze %swap3A_827 : memref<1x400x64xf32, #tpu.memory_space<vmem>> -> memref<400x64xf32, #tpu.memory_space<vmem>>
        %swap3A_829 = arith.index_cast %scan3A_748 : i32 to index
        %swap3A_830 = arith.constant 32 : index
        %swap3A_831 = tpu.vector_load %swap3A_828[%swap3A_829, %swap3A_830] {strides = array<i32>} : memref<400x64xf32, #tpu.memory_space<vmem>>, vector<1x16xf32>,
        %swap3A_832 = vector.shape_cast %swap3A_831 : vector<1x16xf32> to vector<16xf32>
        %swap3A_833 = vector.shape_cast %mul3A_824 : vector<16xf32> to vector<1x16xf32>
        tpu.vector_store %swap3A_828[%swap3A_829, %swap3A_830], %swap3A_833 {strides = array<i32>} : memref<400x64xf32, #tpu.memory_space<vmem>>, vector<1x16xf32>,
        %get3A_834 = arith.constant 0 : i32
        %get3A_835 = arith.constant 0 : i32
        %get3A_836 = tpu.memref_slice %arg9[%scan3A_238, %get3A_834, %get3A_835] : memref<2x400x64xf32, #tpu.memory_space<vmem>> -> memref<1x400x64xf32, #tpu.memory_space<vmem>>
        %get3A_837 = tpu.memref_squeeze %get3A_836 : memref<1x400x64xf32, #tpu.memory_space<vmem>> -> memref<400x64xf32, #tpu.memory_space<vmem>>
        %get3A_838 = arith.index_cast %scan3A_748 : i32 to index
        %get3A_839 = arith.constant 48 : index
        %get3A_840 = tpu.vector_load %get3A_837[%get3A_838, %get3A_839] {strides = array<i32>} : memref<400x64xf32, #tpu.memory_space<vmem>>, vector<1x16xf32>,
        %get3A_841 = vector.shape_cast %get3A_840 : vector<1x16xf32> to vector<16xf32>
        %get3A_842 = arith.constant 0 : i32
        %get3A_843 = arith.constant 0 : i32
        %get3A_844 = tpu.memref_slice %arg10[%scan3A_239, %get3A_842, %get3A_843] : memref<2x400x64xf32, #tpu.memory_space<vmem>> -> memref<1x400x64xf32, #tpu.memory_space<vmem>>
        %get3A_845 = tpu.memref_squeeze %get3A_844 : memref<1x400x64xf32, #tpu.memory_space<vmem>> -> memref<400x64xf32, #tpu.memory_space<vmem>>
        %get3A_846 = arith.index_cast %scan3A_748 : i32 to index
        %get3A_847 = arith.constant 48 : index
        %get3A_848 = tpu.vector_load %get3A_845[%get3A_846, %get3A_847] {strides = array<i32>} : memref<400x64xf32, #tpu.memory_space<vmem>>, vector<1x16xf32>,
        %get3A_849 = vector.shape_cast %get3A_848 : vector<1x16xf32> to vector<16xf32>
        %add3A_850 = arith.addf %get3A_841, %get3A_849 : vector<16xf32>
        %mul3A_851 = arith.constant 5.000000e-01 : f32
        %mul3A_852 = vector.broadcast %mul3A_851 : f32 to vector<16xf32>
        %mul3A_853 = arith.mulf %add3A_850, %mul3A_852 : vector<16xf32>
        %swap3A_854 = arith.constant 0 : i32
        %swap3A_855 = arith.constant 0 : i32
        %swap3A_856 = tpu.memref_slice %arg9[%scan3A_238, %swap3A_854, %swap3A_855] : memref<2x400x64xf32, #tpu.memory_space<vmem>> -> memref<1x400x64xf32, #tpu.memory_space<vmem>>
        %swap3A_857 = tpu.memref_squeeze %swap3A_856 : memref<1x400x64xf32, #tpu.memory_space<vmem>> -> memref<400x64xf32, #tpu.memory_space<vmem>>
        %swap3A_858 = arith.index_cast %scan3A_748 : i32 to index
        %swap3A_859 = arith.constant 48 : index
        %swap3A_860 = tpu.vector_load %swap3A_857[%swap3A_858, %swap3A_859] {strides = array<i32>} : memref<400x64xf32, #tpu.memory_space<vmem>>, vector<1x16xf32>,
        %swap3A_861 = vector.shape_cast %swap3A_860 : vector<1x16xf32> to vector<16xf32>
        %swap3A_862 = vector.shape_cast %mul3A_853 : vector<16xf32> to vector<1x16xf32>
        tpu.vector_store %swap3A_857[%swap3A_858, %swap3A_859], %swap3A_862 {strides = array<i32>} : memref<400x64xf32, #tpu.memory_space<vmem>>, vector<1x16xf32>,
      }
      %scan3A_244 = arith.constant 400 : i32
      %add3A_245 = arith.addi %mul3A_2, %mul3A_188 : i32
      %mul3A_246 = arith.constant 8 : i32
      %mul3A_247 = arith.muli %add3A_245, %mul3A_246 : i32
      %add3A_248 = arith.constant 0 : i32
      %add3A_249 = arith.addi %mul3A_247, %add3A_248 : i32
      %dma_start3A_250 = arith.constant 0 : i32
      %dma_start3A_251 = arith.constant 0 : i32
      %dma_start3A_252 = arith.constant 0 : i32
      %dma_start3A_253 = tpu.memref_slice %arg9[%dma_start3A_250, %dma_start3A_251, %dma_start3A_252] : memref<2x400x64xf32, #tpu.memory_space<vmem>> -> memref<1x50x64xf32, #tpu.memory_space<vmem>>
      %dma_start3A_254 = tpu.memref_squeeze %dma_start3A_253 : memref<1x50x64xf32, #tpu.memory_space<vmem>> -> memref<50x64xf32, #tpu.memory_space<vmem>>
      %dma_start3A_255 = arith.constant 0 : i32
      %dma_start3A_256 = arith.constant 0 : i32
      %dma_start3A_257 = tpu.memref_slice %arg6[%add3A_249, %dma_start3A_255, %dma_start3A_256] : memref<4096x50x64xf32, #tpu.memory_space<hbm>> -> memref<1x50x64xf32, #tpu.memory_space<hbm>>
      %dma_start3A_258 = tpu.memref_squeeze %dma_start3A_257 : memref<1x50x64xf32, #tpu.memory_space<hbm>> -> memref<50x64xf32, #tpu.memory_space<hbm>>
      %dma_start3A_259 = arith.constant 0 : i32
      %dma_start3A_260 = arith.constant 0 : i32
      %dma_start3A_261 = tpu.memref_slice %arg6[%add3A_249, %dma_start3A_259, %dma_start3A_260] : memref<4096x50x64xf32, #tpu.memory_space<hbm>> -> memref<1x50x64xf32, #tpu.memory_space<hbm>>
      %dma_start3A_262 = tpu.memref_squeeze %dma_start3A_261 : memref<1x50x64xf32, #tpu.memory_space<hbm>> -> memref<50x64xf32, #tpu.memory_space<hbm>>
      %dma_start3A_263 = arith.constant 0 : i32
      %dma_start3A_264 = arith.constant 0 : i32
      %dma_start3A_265 = tpu.memref_slice %arg9[%dma_start3A_250, %dma_start3A_263, %dma_start3A_264] : memref<2x400x64xf32, #tpu.memory_space<vmem>> -> memref<1x50x64xf32, #tpu.memory_space<vmem>>
      %dma_start3A_266 = tpu.memref_squeeze %dma_start3A_265 : memref<1x50x64xf32, #tpu.memory_space<vmem>> -> memref<50x64xf32, #tpu.memory_space<vmem>>
      tpu.enqueue_dma source(%dma_start3A_266 : memref<50x64xf32, #tpu.memory_space<vmem>>) target(%dma_start3A_262 : memref<50x64xf32, #tpu.memory_space<hbm>>) target_semaphore(%arg15 : memref<!tpu.dma_semaphore, #tpu.memory_space<semaphore_mem>>)
      %add3A_267 = arith.constant 1 : i32
      %add3A_268 = arith.addi %mul3A_247, %add3A_267 : i32
      %dma_start3A_269 = arith.constant 0 : i32
      %dma_start3A_270 = arith.constant 50 : i32
      %dma_start3A_271 = arith.constant 0 : i32
      %dma_start3A_272 = tpu.memref_slice %arg9[%dma_start3A_269, %dma_start3A_270, %dma_start3A_271] : memref<2x400x64xf32, #tpu.memory_space<vmem>> -> memref<1x50x64xf32, #tpu.memory_space<vmem>>
      %dma_start3A_273 = tpu.memref_squeeze %dma_start3A_272 : memref<1x50x64xf32, #tpu.memory_space<vmem>> -> memref<50x64xf32, #tpu.memory_space<vmem>>
      %dma_start3A_274 = arith.constant 0 : i32
      %dma_start3A_275 = arith.constant 0 : i32
      %dma_start3A_276 = tpu.memref_slice %arg6[%add3A_268, %dma_start3A_274, %dma_start3A_275] : memref<4096x50x64xf32, #tpu.memory_space<hbm>> -> memref<1x50x64xf32, #tpu.memory_space<hbm>>
      %dma_start3A_277 = tpu.memref_squeeze %dma_start3A_276 : memref<1x50x64xf32, #tpu.memory_space<hbm>> -> memref<50x64xf32, #tpu.memory_space<hbm>>
      %dma_start3A_278 = arith.constant 0 : i32
      %dma_start3A_279 = arith.constant 0 : i32
      %dma_start3A_280 = tpu.memref_slice %arg6[%add3A_268, %dma_start3A_278, %dma_start3A_279] : memref<4096x50x64xf32, #tpu.memory_space<hbm>> -> memref<1x50x64xf32, #tpu.memory_space<hbm>>
      %dma_start3A_281 = tpu.memref_squeeze %dma_start3A_280 : memref<1x50x64xf32, #tpu.memory_space<hbm>> -> memref<50x64xf32, #tpu.memory_space<hbm>>
      %dma_start3A_282 = arith.constant 50 : i32
      %dma_start3A_283 = arith.constant 0 : i32
      %dma_start3A_284 = tpu.memref_slice %arg9[%dma_start3A_269, %dma_start3A_282, %dma_start3A_283] : memref<2x400x64xf32, #tpu.memory_space<vmem>> -> memref<1x50x64xf32, #tpu.memory_space<vmem>>
      %dma_start3A_285 = tpu.memref_squeeze %dma_start3A_284 : memref<1x50x64xf32, #tpu.memory_space<vmem>> -> memref<50x64xf32, #tpu.memory_space<vmem>>
      tpu.enqueue_dma source(%dma_start3A_285 : memref<50x64xf32, #tpu.memory_space<vmem>>) target(%dma_start3A_281 : memref<50x64xf32, #tpu.memory_space<hbm>>) target_semaphore(%arg15 : memref<!tpu.dma_semaphore, #tpu.memory_space<semaphore_mem>>)
      %add3A_286 = arith.constant 2 : i32
      %add3A_287 = arith.addi %mul3A_247, %add3A_286 : i32
      %dma_start3A_288 = arith.constant 0 : i32
      %dma_start3A_289 = arith.constant 100 : i32
      %dma_start3A_290 = arith.constant 0 : i32
      %dma_start3A_291 = tpu.memref_slice %arg9[%dma_start3A_288, %dma_start3A_289, %dma_start3A_290] : memref<2x400x64xf32, #tpu.memory_space<vmem>> -> memref<1x50x64xf32, #tpu.memory_space<vmem>>
      %dma_start3A_292 = tpu.memref_squeeze %dma_start3A_291 : memref<1x50x64xf32, #tpu.memory_space<vmem>> -> memref<50x64xf32, #tpu.memory_space<vmem>>
      %dma_start3A_293 = arith.constant 0 : i32
      %dma_start3A_294 = arith.constant 0 : i32
      %dma_start3A_295 = tpu.memref_slice %arg6[%add3A_287, %dma_start3A_293, %dma_start3A_294] : memref<4096x50x64xf32, #tpu.memory_space<hbm>> -> memref<1x50x64xf32, #tpu.memory_space<hbm>>
      %dma_start3A_296 = tpu.memref_squeeze %dma_start3A_295 : memref<1x50x64xf32, #tpu.memory_space<hbm>> -> memref<50x64xf32, #tpu.memory_space<hbm>>
      %dma_start3A_297 = arith.constant 0 : i32
      %dma_start3A_298 = arith.constant 0 : i32
      %dma_start3A_299 = tpu.memref_slice %arg6[%add3A_287, %dma_start3A_297, %dma_start3A_298] : memref<4096x50x64xf32, #tpu.memory_space<hbm>> -> memref<1x50x64xf32, #tpu.memory_space<hbm>>
      %dma_start3A_300 = tpu.memref_squeeze %dma_start3A_299 : memref<1x50x64xf32, #tpu.memory_space<hbm>> -> memref<50x64xf32, #tpu.memory_space<hbm>>
      %dma_start3A_301 = arith.constant 100 : i32
      %dma_start3A_302 = arith.constant 0 : i32
      %dma_start3A_303 = tpu.memref_slice %arg9[%dma_start3A_288, %dma_start3A_301, %dma_start3A_302] : memref<2x400x64xf32, #tpu.memory_space<vmem>> -> memref<1x50x64xf32, #tpu.memory_space<vmem>>
      %dma_start3A_304 = tpu.memref_squeeze %dma_start3A_303 : memref<1x50x64xf32, #tpu.memory_space<vmem>> -> memref<50x64xf32, #tpu.memory_space<vmem>>
      tpu.enqueue_dma source(%dma_start3A_304 : memref<50x64xf32, #tpu.memory_space<vmem>>) target(%dma_start3A_300 : memref<50x64xf32, #tpu.memory_space<hbm>>) target_semaphore(%arg15 : memref<!tpu.dma_semaphore, #tpu.memory_space<semaphore_mem>>)
      %add3A_305 = arith.constant 3 : i32
      %add3A_306 = arith.addi %mul3A_247, %add3A_305 : i32
      %dma_start3A_307 = arith.constant 0 : i32
      %dma_start3A_308 = arith.constant 150 : i32
      %dma_start3A_309 = arith.constant 0 : i32
      %dma_start3A_310 = tpu.memref_slice %arg9[%dma_start3A_307, %dma_start3A_308, %dma_start3A_309] : memref<2x400x64xf32, #tpu.memory_space<vmem>> -> memref<1x50x64xf32, #tpu.memory_space<vmem>>
      %dma_start3A_311 = tpu.memref_squeeze %dma_start3A_310 : memref<1x50x64xf32, #tpu.memory_space<vmem>> -> memref<50x64xf32, #tpu.memory_space<vmem>>
      %dma_start3A_312 = arith.constant 0 : i32
      %dma_start3A_313 = arith.constant 0 : i32
      %dma_start3A_314 = tpu.memref_slice %arg6[%add3A_306, %dma_start3A_312, %dma_start3A_313] : memref<4096x50x64xf32, #tpu.memory_space<hbm>> -> memref<1x50x64xf32, #tpu.memory_space<hbm>>
      %dma_start3A_315 = tpu.memref_squeeze %dma_start3A_314 : memref<1x50x64xf32, #tpu.memory_space<hbm>> -> memref<50x64xf32, #tpu.memory_space<hbm>>
      %dma_start3A_316 = arith.constant 0 : i32
      %dma_start3A_317 = arith.constant 0 : i32
      %dma_start3A_318 = tpu.memref_slice %arg6[%add3A_306, %dma_start3A_316, %dma_start3A_317] : memref<4096x50x64xf32, #tpu.memory_space<hbm>> -> memref<1x50x64xf32, #tpu.memory_space<hbm>>
      %dma_start3A_319 = tpu.memref_squeeze %dma_start3A_318 : memref<1x50x64xf32, #tpu.memory_space<hbm>> -> memref<50x64xf32, #tpu.memory_space<hbm>>
      %dma_start3A_320 = arith.constant 150 : i32
      %dma_start3A_321 = arith.constant 0 : i32
      %dma_start3A_322 = tpu.memref_slice %arg9[%dma_start3A_307, %dma_start3A_320, %dma_start3A_321] : memref<2x400x64xf32, #tpu.memory_space<vmem>> -> memref<1x50x64xf32, #tpu.memory_space<vmem>>
      %dma_start3A_323 = tpu.memref_squeeze %dma_start3A_322 : memref<1x50x64xf32, #tpu.memory_space<vmem>> -> memref<50x64xf32, #tpu.memory_space<vmem>>
      tpu.enqueue_dma source(%dma_start3A_323 : memref<50x64xf32, #tpu.memory_space<vmem>>) target(%dma_start3A_319 : memref<50x64xf32, #tpu.memory_space<hbm>>) target_semaphore(%arg15 : memref<!tpu.dma_semaphore, #tpu.memory_space<semaphore_mem>>)
      %add3A_324 = arith.constant 4 : i32
      %add3A_325 = arith.addi %mul3A_247, %add3A_324 : i32
      %dma_start3A_326 = arith.constant 0 : i32
      %dma_start3A_327 = arith.constant 200 : i32
      %dma_start3A_328 = arith.constant 0 : i32
      %dma_start3A_329 = tpu.memref_slice %arg9[%dma_start3A_326, %dma_start3A_327, %dma_start3A_328] : memref<2x400x64xf32, #tpu.memory_space<vmem>> -> memref<1x50x64xf32, #tpu.memory_space<vmem>>
      %dma_start3A_330 = tpu.memref_squeeze %dma_start3A_329 : memref<1x50x64xf32, #tpu.memory_space<vmem>> -> memref<50x64xf32, #tpu.memory_space<vmem>>
      %dma_start3A_331 = arith.constant 0 : i32
      %dma_start3A_332 = arith.constant 0 : i32
      %dma_start3A_333 = tpu.memref_slice %arg6[%add3A_325, %dma_start3A_331, %dma_start3A_332] : memref<4096x50x64xf32, #tpu.memory_space<hbm>> -> memref<1x50x64xf32, #tpu.memory_space<hbm>>
      %dma_start3A_334 = tpu.memref_squeeze %dma_start3A_333 : memref<1x50x64xf32, #tpu.memory_space<hbm>> -> memref<50x64xf32, #tpu.memory_space<hbm>>
      %dma_start3A_335 = arith.constant 0 : i32
      %dma_start3A_336 = arith.constant 0 : i32
      %dma_start3A_337 = tpu.memref_slice %arg6[%add3A_325, %dma_start3A_335, %dma_start3A_336] : memref<4096x50x64xf32, #tpu.memory_space<hbm>> -> memref<1x50x64xf32, #tpu.memory_space<hbm>>
      %dma_start3A_338 = tpu.memref_squeeze %dma_start3A_337 : memref<1x50x64xf32, #tpu.memory_space<hbm>> -> memref<50x64xf32, #tpu.memory_space<hbm>>
      %dma_start3A_339 = arith.constant 200 : i32
      %dma_start3A_340 = arith.constant 0 : i32
      %dma_start3A_341 = tpu.memref_slice %arg9[%dma_start3A_326, %dma_start3A_339, %dma_start3A_340] : memref<2x400x64xf32, #tpu.memory_space<vmem>> -> memref<1x50x64xf32, #tpu.memory_space<vmem>>
      %dma_start3A_342 = tpu.memref_squeeze %dma_start3A_341 : memref<1x50x64xf32, #tpu.memory_space<vmem>> -> memref<50x64xf32, #tpu.memory_space<vmem>>
      tpu.enqueue_dma source(%dma_start3A_342 : memref<50x64xf32, #tpu.memory_space<vmem>>) target(%dma_start3A_338 : memref<50x64xf32, #tpu.memory_space<hbm>>) target_semaphore(%arg15 : memref<!tpu.dma_semaphore, #tpu.memory_space<semaphore_mem>>)
      %add3A_343 = arith.constant 5 : i32
      %add3A_344 = arith.addi %mul3A_247, %add3A_343 : i32
      %dma_start3A_345 = arith.constant 0 : i32
      %dma_start3A_346 = arith.constant 250 : i32
      %dma_start3A_347 = arith.constant 0 : i32
      %dma_start3A_348 = tpu.memref_slice %arg9[%dma_start3A_345, %dma_start3A_346, %dma_start3A_347] : memref<2x400x64xf32, #tpu.memory_space<vmem>> -> memref<1x50x64xf32, #tpu.memory_space<vmem>>
      %dma_start3A_349 = tpu.memref_squeeze %dma_start3A_348 : memref<1x50x64xf32, #tpu.memory_space<vmem>> -> memref<50x64xf32, #tpu.memory_space<vmem>>
      %dma_start3A_350 = arith.constant 0 : i32
      %dma_start3A_351 = arith.constant 0 : i32
      %dma_start3A_352 = tpu.memref_slice %arg6[%add3A_344, %dma_start3A_350, %dma_start3A_351] : memref<4096x50x64xf32, #tpu.memory_space<hbm>> -> memref<1x50x64xf32, #tpu.memory_space<hbm>>
      %dma_start3A_353 = tpu.memref_squeeze %dma_start3A_352 : memref<1x50x64xf32, #tpu.memory_space<hbm>> -> memref<50x64xf32, #tpu.memory_space<hbm>>
      %dma_start3A_354 = arith.constant 0 : i32
      %dma_start3A_355 = arith.constant 0 : i32
      %dma_start3A_356 = tpu.memref_slice %arg6[%add3A_344, %dma_start3A_354, %dma_start3A_355] : memref<4096x50x64xf32, #tpu.memory_space<hbm>> -> memref<1x50x64xf32, #tpu.memory_space<hbm>>
      %dma_start3A_357 = tpu.memref_squeeze %dma_start3A_356 : memref<1x50x64xf32, #tpu.memory_space<hbm>> -> memref<50x64xf32, #tpu.memory_space<hbm>>
      %dma_start3A_358 = arith.constant 250 : i32
      %dma_start3A_359 = arith.constant 0 : i32
      %dma_start3A_360 = tpu.memref_slice %arg9[%dma_start3A_345, %dma_start3A_358, %dma_start3A_359] : memref<2x400x64xf32, #tpu.memory_space<vmem>> -> memref<1x50x64xf32, #tpu.memory_space<vmem>>
      %dma_start3A_361 = tpu.memref_squeeze %dma_start3A_360 : memref<1x50x64xf32, #tpu.memory_space<vmem>> -> memref<50x64xf32, #tpu.memory_space<vmem>>
      tpu.enqueue_dma source(%dma_start3A_361 : memref<50x64xf32, #tpu.memory_space<vmem>>) target(%dma_start3A_357 : memref<50x64xf32, #tpu.memory_space<hbm>>) target_semaphore(%arg15 : memref<!tpu.dma_semaphore, #tpu.memory_space<semaphore_mem>>)
      %add3A_362 = arith.constant 6 : i32
      %add3A_363 = arith.addi %mul3A_247, %add3A_362 : i32
      %dma_start3A_364 = arith.constant 0 : i32
      %dma_start3A_365 = arith.constant 300 : i32
      %dma_start3A_366 = arith.constant 0 : i32
      %dma_start3A_367 = tpu.memref_slice %arg9[%dma_start3A_364, %dma_start3A_365, %dma_start3A_366] : memref<2x400x64xf32, #tpu.memory_space<vmem>> -> memref<1x50x64xf32, #tpu.memory_space<vmem>>
      %dma_start3A_368 = tpu.memref_squeeze %dma_start3A_367 : memref<1x50x64xf32, #tpu.memory_space<vmem>> -> memref<50x64xf32, #tpu.memory_space<vmem>>
      %dma_start3A_369 = arith.constant 0 : i32
      %dma_start3A_370 = arith.constant 0 : i32
      %dma_start3A_371 = tpu.memref_slice %arg6[%add3A_363, %dma_start3A_369, %dma_start3A_370] : memref<4096x50x64xf32, #tpu.memory_space<hbm>> -> memref<1x50x64xf32, #tpu.memory_space<hbm>>
      %dma_start3A_372 = tpu.memref_squeeze %dma_start3A_371 : memref<1x50x64xf32, #tpu.memory_space<hbm>> -> memref<50x64xf32, #tpu.memory_space<hbm>>
      %dma_start3A_373 = arith.constant 0 : i32
      %dma_start3A_374 = arith.constant 0 : i32
      %dma_start3A_375 = tpu.memref_slice %arg6[%add3A_363, %dma_start3A_373, %dma_start3A_374] : memref<4096x50x64xf32, #tpu.memory_space<hbm>> -> memref<1x50x64xf32, #tpu.memory_space<hbm>>
      %dma_start3A_376 = tpu.memref_squeeze %dma_start3A_375 : memref<1x50x64xf32, #tpu.memory_space<hbm>> -> memref<50x64xf32, #tpu.memory_space<hbm>>
      %dma_start3A_377 = arith.constant 300 : i32
      %dma_start3A_378 = arith.constant 0 : i32
      %dma_start3A_379 = tpu.memref_slice %arg9[%dma_start3A_364, %dma_start3A_377, %dma_start3A_378] : memref<2x400x64xf32, #tpu.memory_space<vmem>> -> memref<1x50x64xf32, #tpu.memory_space<vmem>>
      %dma_start3A_380 = tpu.memref_squeeze %dma_start3A_379 : memref<1x50x64xf32, #tpu.memory_space<vmem>> -> memref<50x64xf32, #tpu.memory_space<vmem>>
      tpu.enqueue_dma source(%dma_start3A_380 : memref<50x64xf32, #tpu.memory_space<vmem>>) target(%dma_start3A_376 : memref<50x64xf32, #tpu.memory_space<hbm>>) target_semaphore(%arg15 : memref<!tpu.dma_semaphore, #tpu.memory_space<semaphore_mem>>)
      %add3A_381 = arith.constant 7 : i32
      %add3A_382 = arith.addi %mul3A_247, %add3A_381 : i32
      %dma_start3A_383 = arith.constant 0 : i32
      %dma_start3A_384 = arith.constant 350 : i32
      %dma_start3A_385 = arith.constant 0 : i32
      %dma_start3A_386 = tpu.memref_slice %arg9[%dma_start3A_383, %dma_start3A_384, %dma_start3A_385] : memref<2x400x64xf32, #tpu.memory_space<vmem>> -> memref<1x50x64xf32, #tpu.memory_space<vmem>>
      %dma_start3A_387 = tpu.memref_squeeze %dma_start3A_386 : memref<1x50x64xf32, #tpu.memory_space<vmem>> -> memref<50x64xf32, #tpu.memory_space<vmem>>
      %dma_start3A_388 = arith.constant 0 : i32
      %dma_start3A_389 = arith.constant 0 : i32
      %dma_start3A_390 = tpu.memref_slice %arg6[%add3A_382, %dma_start3A_388, %dma_start3A_389] : memref<4096x50x64xf32, #tpu.memory_space<hbm>> -> memref<1x50x64xf32, #tpu.memory_space<hbm>>
      %dma_start3A_391 = tpu.memref_squeeze %dma_start3A_390 : memref<1x50x64xf32, #tpu.memory_space<hbm>> -> memref<50x64xf32, #tpu.memory_space<hbm>>
      %dma_start3A_392 = arith.constant 0 : i32
      %dma_start3A_393 = arith.constant 0 : i32
      %dma_start3A_394 = tpu.memref_slice %arg6[%add3A_382, %dma_start3A_392, %dma_start3A_393] : memref<4096x50x64xf32, #tpu.memory_space<hbm>> -> memref<1x50x64xf32, #tpu.memory_space<hbm>>
      %dma_start3A_395 = tpu.memref_squeeze %dma_start3A_394 : memref<1x50x64xf32, #tpu.memory_space<hbm>> -> memref<50x64xf32, #tpu.memory_space<hbm>>
      %dma_start3A_396 = arith.constant 350 : i32
      %dma_start3A_397 = arith.constant 0 : i32
      %dma_start3A_398 = tpu.memref_slice %arg9[%dma_start3A_383, %dma_start3A_396, %dma_start3A_397] : memref<2x400x64xf32, #tpu.memory_space<vmem>> -> memref<1x50x64xf32, #tpu.memory_space<vmem>>
      %dma_start3A_399 = tpu.memref_squeeze %dma_start3A_398 : memref<1x50x64xf32, #tpu.memory_space<vmem>> -> memref<50x64xf32, #tpu.memory_space<vmem>>
      tpu.enqueue_dma source(%dma_start3A_399 : memref<50x64xf32, #tpu.memory_space<vmem>>) target(%dma_start3A_395 : memref<50x64xf32, #tpu.memory_space<hbm>>) target_semaphore(%arg15 : memref<!tpu.dma_semaphore, #tpu.memory_space<semaphore_mem>>)
      %add3A_400 = arith.constant 1 : i32
      %add3A_401 = arith.addi %mul3A_188, %add3A_400 : i32
      %dma_wait3A_402 = arith.constant 1 : i32
      %dma_wait3A_403 = arith.constant 0 : i32
      %dma_wait3A_404 = arith.constant 0 : i32
      %dma_wait3A_405 = tpu.memref_slice %arg9[%dma_wait3A_402, %dma_wait3A_403, %dma_wait3A_404] : memref<2x400x64xf32, #tpu.memory_space<vmem>> -> memref<1x400x64xf32, #tpu.memory_space<vmem>>
      %dma_wait3A_406 = tpu.memref_squeeze %dma_wait3A_405 : memref<1x400x64xf32, #tpu.memory_space<vmem>> -> memref<400x64xf32, #tpu.memory_space<vmem>>
      %dma_wait3A_407 = arith.constant 0 : i32
      %dma_wait3A_408 = tpu.memref_slice %arg7[%add3A_401, %dma_wait3A_407] : memref<16x400xi32, #tpu.memory_space<vmem>> -> memref<1x400xi32, #tpu.memory_space<vmem>>
      %dma_wait3A_409 = tpu.memref_squeeze %dma_wait3A_408 : memref<1x400xi32, #tpu.memory_space<vmem>> -> memref<400xi32, #tpu.memory_space<vmem>>
      %dma_wait3A_410 = arith.constant 0 : i32
      %dma_wait3A_411 = arith.constant 0 : i32
      %dma_wait3A_412 = tpu.memref_slice %arg4[%dma_wait3A_410, %dma_wait3A_411] : memref<100000x64xf32, #tpu.memory_space<hbm>> -> memref<100000x64xf32, #tpu.memory_space<hbm>>
      tpu.wait_indirect_dma semaphore(%arg12 : memref<!tpu.dma_semaphore, #tpu.memory_space<semaphore_mem>>) src(%dma_wait3A_412 : memref<100000x64xf32, #tpu.memory_space<hbm>>) dst(%dma_wait3A_406 : memref<400x64xf32, #tpu.memory_space<vmem>>)
      %dma_wait3A_413 = arith.constant 1 : i32
      %dma_wait3A_414 = arith.constant 0 : i32
      %dma_wait3A_415 = arith.constant 0 : i32
      %dma_wait3A_416 = tpu.memref_slice %arg10[%dma_wait3A_413, %dma_wait3A_414, %dma_wait3A_415] : memref<2x400x64xf32, #tpu.memory_space<vmem>> -> memref<1x400x64xf32, #tpu.memory_space<vmem>>
      %dma_wait3A_417 = tpu.memref_squeeze %dma_wait3A_416 : memref<1x400x64xf32, #tpu.memory_space<vmem>> -> memref<400x64xf32, #tpu.memory_space<vmem>>
      %dma_wait3A_418 = arith.constant 0 : i32
      %dma_wait3A_419 = tpu.memref_slice %arg8[%add3A_401, %dma_wait3A_418] : memref<16x400xi32, #tpu.memory_space<vmem>> -> memref<1x400xi32, #tpu.memory_space<vmem>>
      %dma_wait3A_420 = tpu.memref_squeeze %dma_wait3A_419 : memref<1x400xi32, #tpu.memory_space<vmem>> -> memref<400xi32, #tpu.memory_space<vmem>>
      %dma_wait3A_421 = arith.constant 0 : i32
      %dma_wait3A_422 = arith.constant 0 : i32
      %dma_wait3A_423 = tpu.memref_slice %arg5[%dma_wait3A_421, %dma_wait3A_422] : memref<100000x64xf32, #tpu.memory_space<hbm>> -> memref<100000x64xf32, #tpu.memory_space<hbm>>
      tpu.wait_indirect_dma semaphore(%arg14 : memref<!tpu.dma_semaphore, #tpu.memory_space<semaphore_mem>>) src(%dma_wait3A_423 : memref<100000x64xf32, #tpu.memory_space<hbm>>) dst(%dma_wait3A_417 : memref<400x64xf32, #tpu.memory_space<vmem>>)
      %add3A_424 = arith.addi %mul3A_2, %mul3A_188 : i32
      %mul3A_425 = arith.constant 8 : i32
      %mul3A_426 = arith.muli %add3A_424, %mul3A_425 : i32
      %add3A_427 = arith.constant 0 : i32
      %add3A_428 = arith.addi %mul3A_426, %add3A_427 : i32
      %dma_wait3A_429 = arith.constant 0 : i32
      %dma_wait3A_430 = arith.constant 0 : i32
      %dma_wait3A_431 = arith.constant 0 : i32
      %dma_wait3A_432 = tpu.memref_slice %arg9[%dma_wait3A_429, %dma_wait3A_430, %dma_wait3A_431] : memref<2x400x64xf32, #tpu.memory_space<vmem>> -> memref<1x50x64xf32, #tpu.memory_space<vmem>>
      %dma_wait3A_433 = tpu.memref_squeeze %dma_wait3A_432 : memref<1x50x64xf32, #tpu.memory_space<vmem>> -> memref<50x64xf32, #tpu.memory_space<vmem>>
      %dma_wait3A_434 = arith.constant 0 : i32
      %dma_wait3A_435 = arith.constant 0 : i32
      %dma_wait3A_436 = tpu.memref_slice %arg6[%add3A_428, %dma_wait3A_434, %dma_wait3A_435] : memref<4096x50x64xf32, #tpu.memory_space<hbm>> -> memref<1x50x64xf32, #tpu.memory_space<hbm>>
      %dma_wait3A_437 = tpu.memref_squeeze %dma_wait3A_436 : memref<1x50x64xf32, #tpu.memory_space<hbm>> -> memref<50x64xf32, #tpu.memory_space<hbm>>
      %dma_wait3A_438 = arith.constant 0 : i32
      %dma_wait3A_439 = arith.constant 0 : i32
      %dma_wait3A_440 = tpu.memref_slice %arg6[%add3A_428, %dma_wait3A_438, %dma_wait3A_439] : memref<4096x50x64xf32, #tpu.memory_space<hbm>> -> memref<1x50x64xf32, #tpu.memory_space<hbm>>
      %dma_wait3A_441 = tpu.memref_squeeze %dma_wait3A_440 : memref<1x50x64xf32, #tpu.memory_space<hbm>> -> memref<50x64xf32, #tpu.memory_space<hbm>>
      %dma_wait3A_442 = arith.constant 0 : i32
      %dma_wait3A_443 = arith.constant 0 : i32
      %dma_wait3A_444 = tpu.memref_slice %arg9[%dma_wait3A_429, %dma_wait3A_442, %dma_wait3A_443] : memref<2x400x64xf32, #tpu.memory_space<vmem>> -> memref<1x50x64xf32, #tpu.memory_space<vmem>>
      %dma_wait3A_445 = tpu.memref_squeeze %dma_wait3A_444 : memref<1x50x64xf32, #tpu.memory_space<vmem>> -> memref<50x64xf32, #tpu.memory_space<vmem>>
      tpu.wait_dma2 semaphore(%arg15 : memref<!tpu.dma_semaphore, #tpu.memory_space<semaphore_mem>>) src(%dma_wait3A_445 : memref<50x64xf32, #tpu.memory_space<vmem>>) dst(%dma_wait3A_441 : memref<50x64xf32, #tpu.memory_space<hbm>>)
      %add3A_446 = arith.constant 1 : i32
      %add3A_447 = arith.addi %mul3A_426, %add3A_446 : i32
      %dma_wait3A_448 = arith.constant 0 : i32
      %dma_wait3A_449 = arith.constant 50 : i32
      %dma_wait3A_450 = arith.constant 0 : i32
      %dma_wait3A_451 = tpu.memref_slice %arg9[%dma_wait3A_448, %dma_wait3A_449, %dma_wait3A_450] : memref<2x400x64xf32, #tpu.memory_space<vmem>> -> memref<1x50x64xf32, #tpu.memory_space<vmem>>
      %dma_wait3A_452 = tpu.memref_squeeze %dma_wait3A_451 : memref<1x50x64xf32, #tpu.memory_space<vmem>> -> memref<50x64xf32, #tpu.memory_space<vmem>>
      %dma_wait3A_453 = arith.constant 0 : i32
      %dma_wait3A_454 = arith.constant 0 : i32
      %dma_wait3A_455 = tpu.memref_slice %arg6[%add3A_447, %dma_wait3A_453, %dma_wait3A_454] : memref<4096x50x64xf32, #tpu.memory_space<hbm>> -> memref<1x50x64xf32, #tpu.memory_space<hbm>>
      %dma_wait3A_456 = tpu.memref_squeeze %dma_wait3A_455 : memref<1x50x64xf32, #tpu.memory_space<hbm>> -> memref<50x64xf32, #tpu.memory_space<hbm>>
      %dma_wait3A_457 = arith.constant 0 : i32
      %dma_wait3A_458 = arith.constant 0 : i32
      %dma_wait3A_459 = tpu.memref_slice %arg6[%add3A_447, %dma_wait3A_457, %dma_wait3A_458] : memref<4096x50x64xf32, #tpu.memory_space<hbm>> -> memref<1x50x64xf32, #tpu.memory_space<hbm>>
      %dma_wait3A_460 = tpu.memref_squeeze %dma_wait3A_459 : memref<1x50x64xf32, #tpu.memory_space<hbm>> -> memref<50x64xf32, #tpu.memory_space<hbm>>
      %dma_wait3A_461 = arith.constant 50 : i32
      %dma_wait3A_462 = arith.constant 0 : i32
      %dma_wait3A_463 = tpu.memref_slice %arg9[%dma_wait3A_448, %dma_wait3A_461, %dma_wait3A_462] : memref<2x400x64xf32, #tpu.memory_space<vmem>> -> memref<1x50x64xf32, #tpu.memory_space<vmem>>
      %dma_wait3A_464 = tpu.memref_squeeze %dma_wait3A_463 : memref<1x50x64xf32, #tpu.memory_space<vmem>> -> memref<50x64xf32, #tpu.memory_space<vmem>>
      tpu.wait_dma2 semaphore(%arg15 : memref<!tpu.dma_semaphore, #tpu.memory_space<semaphore_mem>>) src(%dma_wait3A_464 : memref<50x64xf32, #tpu.memory_space<vmem>>) dst(%dma_wait3A_460 : memref<50x64xf32, #tpu.memory_space<hbm>>)
      %add3A_465 = arith.constant 2 : i32
      %add3A_466 = arith.addi %mul3A_426, %add3A_465 : i32
      %dma_wait3A_467 = arith.constant 0 : i32
      %dma_wait3A_468 = arith.constant 100 : i32
      %dma_wait3A_469 = arith.constant 0 : i32
      %dma_wait3A_470 = tpu.memref_slice %arg9[%dma_wait3A_467, %dma_wait3A_468, %dma_wait3A_469] : memref<2x400x64xf32, #tpu.memory_space<vmem>> -> memref<1x50x64xf32, #tpu.memory_space<vmem>>
      %dma_wait3A_471 = tpu.memref_squeeze %dma_wait3A_470 : memref<1x50x64xf32, #tpu.memory_space<vmem>> -> memref<50x64xf32, #tpu.memory_space<vmem>>
      %dma_wait3A_472 = arith.constant 0 : i32
      %dma_wait3A_473 = arith.constant 0 : i32
      %dma_wait3A_474 = tpu.memref_slice %arg6[%add3A_466, %dma_wait3A_472, %dma_wait3A_473] : memref<4096x50x64xf32, #tpu.memory_space<hbm>> -> memref<1x50x64xf32, #tpu.memory_space<hbm>>
      %dma_wait3A_475 = tpu.memref_squeeze %dma_wait3A_474 : memref<1x50x64xf32, #tpu.memory_space<hbm>> -> memref<50x64xf32, #tpu.memory_space<hbm>>
      %dma_wait3A_476 = arith.constant 0 : i32
      %dma_wait3A_477 = arith.constant 0 : i32
      %dma_wait3A_478 = tpu.memref_slice %arg6[%add3A_466, %dma_wait3A_476, %dma_wait3A_477] : memref<4096x50x64xf32, #tpu.memory_space<hbm>> -> memref<1x50x64xf32, #tpu.memory_space<hbm>>
      %dma_wait3A_479 = tpu.memref_squeeze %dma_wait3A_478 : memref<1x50x64xf32, #tpu.memory_space<hbm>> -> memref<50x64xf32, #tpu.memory_space<hbm>>
      %dma_wait3A_480 = arith.constant 100 : i32
      %dma_wait3A_481 = arith.constant 0 : i32
      %dma_wait3A_482 = tpu.memref_slice %arg9[%dma_wait3A_467, %dma_wait3A_480, %dma_wait3A_481] : memref<2x400x64xf32, #tpu.memory_space<vmem>> -> memref<1x50x64xf32, #tpu.memory_space<vmem>>
      %dma_wait3A_483 = tpu.memref_squeeze %dma_wait3A_482 : memref<1x50x64xf32, #tpu.memory_space<vmem>> -> memref<50x64xf32, #tpu.memory_space<vmem>>
      tpu.wait_dma2 semaphore(%arg15 : memref<!tpu.dma_semaphore, #tpu.memory_space<semaphore_mem>>) src(%dma_wait3A_483 : memref<50x64xf32, #tpu.memory_space<vmem>>) dst(%dma_wait3A_479 : memref<50x64xf32, #tpu.memory_space<hbm>>)
      %add3A_484 = arith.constant 3 : i32
      %add3A_485 = arith.addi %mul3A_426, %add3A_484 : i32
      %dma_wait3A_486 = arith.constant 0 : i32
      %dma_wait3A_487 = arith.constant 150 : i32
      %dma_wait3A_488 = arith.constant 0 : i32
      %dma_wait3A_489 = tpu.memref_slice %arg9[%dma_wait3A_486, %dma_wait3A_487, %dma_wait3A_488] : memref<2x400x64xf32, #tpu.memory_space<vmem>> -> memref<1x50x64xf32, #tpu.memory_space<vmem>>
      %dma_wait3A_490 = tpu.memref_squeeze %dma_wait3A_489 : memref<1x50x64xf32, #tpu.memory_space<vmem>> -> memref<50x64xf32, #tpu.memory_space<vmem>>
      %dma_wait3A_491 = arith.constant 0 : i32
      %dma_wait3A_492 = arith.constant 0 : i32
      %dma_wait3A_493 = tpu.memref_slice %arg6[%add3A_485, %dma_wait3A_491, %dma_wait3A_492] : memref<4096x50x64xf32, #tpu.memory_space<hbm>> -> memref<1x50x64xf32, #tpu.memory_space<hbm>>
      %dma_wait3A_494 = tpu.memref_squeeze %dma_wait3A_493 : memref<1x50x64xf32, #tpu.memory_space<hbm>> -> memref<50x64xf32, #tpu.memory_space<hbm>>
      %dma_wait3A_495 = arith.constant 0 : i32
      %dma_wait3A_496 = arith.constant 0 : i32
      %dma_wait3A_497 = tpu.memref_slice %arg6[%add3A_485, %dma_wait3A_495, %dma_wait3A_496] : memref<4096x50x64xf32, #tpu.memory_space<hbm>> -> memref<1x50x64xf32, #tpu.memory_space<hbm>>
      %dma_wait3A_498 = tpu.memref_squeeze %dma_wait3A_497 : memref<1x50x64xf32, #tpu.memory_space<hbm>> -> memref<50x64xf32, #tpu.memory_space<hbm>>
      %dma_wait3A_499 = arith.constant 150 : i32
      %dma_wait3A_500 = arith.constant 0 : i32
      %dma_wait3A_501 = tpu.memref_slice %arg9[%dma_wait3A_486, %dma_wait3A_499, %dma_wait3A_500] : memref<2x400x64xf32, #tpu.memory_space<vmem>> -> memref<1x50x64xf32, #tpu.memory_space<vmem>>
      %dma_wait3A_502 = tpu.memref_squeeze %dma_wait3A_501 : memref<1x50x64xf32, #tpu.memory_space<vmem>> -> memref<50x64xf32, #tpu.memory_space<vmem>>
      tpu.wait_dma2 semaphore(%arg15 : memref<!tpu.dma_semaphore, #tpu.memory_space<semaphore_mem>>) src(%dma_wait3A_502 : memref<50x64xf32, #tpu.memory_space<vmem>>) dst(%dma_wait3A_498 : memref<50x64xf32, #tpu.memory_space<hbm>>)
      %add3A_503 = arith.constant 4 : i32
      %add3A_504 = arith.addi %mul3A_426, %add3A_503 : i32
      %dma_wait3A_505 = arith.constant 0 : i32
      %dma_wait3A_506 = arith.constant 200 : i32
      %dma_wait3A_507 = arith.constant 0 : i32
      %dma_wait3A_508 = tpu.memref_slice %arg9[%dma_wait3A_505, %dma_wait3A_506, %dma_wait3A_507] : memref<2x400x64xf32, #tpu.memory_space<vmem>> -> memref<1x50x64xf32, #tpu.memory_space<vmem>>
      %dma_wait3A_509 = tpu.memref_squeeze %dma_wait3A_508 : memref<1x50x64xf32, #tpu.memory_space<vmem>> -> memref<50x64xf32, #tpu.memory_space<vmem>>
      %dma_wait3A_510 = arith.constant 0 : i32
      %dma_wait3A_511 = arith.constant 0 : i32
      %dma_wait3A_512 = tpu.memref_slice %arg6[%add3A_504, %dma_wait3A_510, %dma_wait3A_511] : memref<4096x50x64xf32, #tpu.memory_space<hbm>> -> memref<1x50x64xf32, #tpu.memory_space<hbm>>
      %dma_wait3A_513 = tpu.memref_squeeze %dma_wait3A_512 : memref<1x50x64xf32, #tpu.memory_space<hbm>> -> memref<50x64xf32, #tpu.memory_space<hbm>>
      %dma_wait3A_514 = arith.constant 0 : i32
      %dma_wait3A_515 = arith.constant 0 : i32
      %dma_wait3A_516 = tpu.memref_slice %arg6[%add3A_504, %dma_wait3A_514, %dma_wait3A_515] : memref<4096x50x64xf32, #tpu.memory_space<hbm>> -> memref<1x50x64xf32, #tpu.memory_space<hbm>>
      %dma_wait3A_517 = tpu.memref_squeeze %dma_wait3A_516 : memref<1x50x64xf32, #tpu.memory_space<hbm>> -> memref<50x64xf32, #tpu.memory_space<hbm>>
      %dma_wait3A_518 = arith.constant 200 : i32
      %dma_wait3A_519 = arith.constant 0 : i32
      %dma_wait3A_520 = tpu.memref_slice %arg9[%dma_wait3A_505, %dma_wait3A_518, %dma_wait3A_519] : memref<2x400x64xf32, #tpu.memory_space<vmem>> -> memref<1x50x64xf32, #tpu.memory_space<vmem>>
      %dma_wait3A_521 = tpu.memref_squeeze %dma_wait3A_520 : memref<1x50x64xf32, #tpu.memory_space<vmem>> -> memref<50x64xf32, #tpu.memory_space<vmem>>
      tpu.wait_dma2 semaphore(%arg15 : memref<!tpu.dma_semaphore, #tpu.memory_space<semaphore_mem>>) src(%dma_wait3A_521 : memref<50x64xf32, #tpu.memory_space<vmem>>) dst(%dma_wait3A_517 : memref<50x64xf32, #tpu.memory_space<hbm>>)
      %add3A_522 = arith.constant 5 : i32
      %add3A_523 = arith.addi %mul3A_426, %add3A_522 : i32
      %dma_wait3A_524 = arith.constant 0 : i32
      %dma_wait3A_525 = arith.constant 250 : i32
      %dma_wait3A_526 = arith.constant 0 : i32
      %dma_wait3A_527 = tpu.memref_slice %arg9[%dma_wait3A_524, %dma_wait3A_525, %dma_wait3A_526] : memref<2x400x64xf32, #tpu.memory_space<vmem>> -> memref<1x50x64xf32, #tpu.memory_space<vmem>>
      %dma_wait3A_528 = tpu.memref_squeeze %dma_wait3A_527 : memref<1x50x64xf32, #tpu.memory_space<vmem>> -> memref<50x64xf32, #tpu.memory_space<vmem>>
      %dma_wait3A_529 = arith.constant 0 : i32
      %dma_wait3A_530 = arith.constant 0 : i32
      %dma_wait3A_531 = tpu.memref_slice %arg6[%add3A_523, %dma_wait3A_529, %dma_wait3A_530] : memref<4096x50x64xf32, #tpu.memory_space<hbm>> -> memref<1x50x64xf32, #tpu.memory_space<hbm>>
      %dma_wait3A_532 = tpu.memref_squeeze %dma_wait3A_531 : memref<1x50x64xf32, #tpu.memory_space<hbm>> -> memref<50x64xf32, #tpu.memory_space<hbm>>
      %dma_wait3A_533 = arith.constant 0 : i32
      %dma_wait3A_534 = arith.constant 0 : i32
      %dma_wait3A_535 = tpu.memref_slice %arg6[%add3A_523, %dma_wait3A_533, %dma_wait3A_534] : memref<4096x50x64xf32, #tpu.memory_space<hbm>> -> memref<1x50x64xf32, #tpu.memory_space<hbm>>
      %dma_wait3A_536 = tpu.memref_squeeze %dma_wait3A_535 : memref<1x50x64xf32, #tpu.memory_space<hbm>> -> memref<50x64xf32, #tpu.memory_space<hbm>>
      %dma_wait3A_537 = arith.constant 250 : i32
      %dma_wait3A_538 = arith.constant 0 : i32
      %dma_wait3A_539 = tpu.memref_slice %arg9[%dma_wait3A_524, %dma_wait3A_537, %dma_wait3A_538] : memref<2x400x64xf32, #tpu.memory_space<vmem>> -> memref<1x50x64xf32, #tpu.memory_space<vmem>>
      %dma_wait3A_540 = tpu.memref_squeeze %dma_wait3A_539 : memref<1x50x64xf32, #tpu.memory_space<vmem>> -> memref<50x64xf32, #tpu.memory_space<vmem>>
      tpu.wait_dma2 semaphore(%arg15 : memref<!tpu.dma_semaphore, #tpu.memory_space<semaphore_mem>>) src(%dma_wait3A_540 : memref<50x64xf32, #tpu.memory_space<vmem>>) dst(%dma_wait3A_536 : memref<50x64xf32, #tpu.memory_space<hbm>>)
      %add3A_541 = arith.constant 6 : i32
      %add3A_542 = arith.addi %mul3A_426, %add3A_541 : i32
      %dma_wait3A_543 = arith.constant 0 : i32
      %dma_wait3A_544 = arith.constant 300 : i32
      %dma_wait3A_545 = arith.constant 0 : i32
      %dma_wait3A_546 = tpu.memref_slice %arg9[%dma_wait3A_543, %dma_wait3A_544, %dma_wait3A_545] : memref<2x400x64xf32, #tpu.memory_space<vmem>> -> memref<1x50x64xf32, #tpu.memory_space<vmem>>
      %dma_wait3A_547 = tpu.memref_squeeze %dma_wait3A_546 : memref<1x50x64xf32, #tpu.memory_space<vmem>> -> memref<50x64xf32, #tpu.memory_space<vmem>>
      %dma_wait3A_548 = arith.constant 0 : i32
      %dma_wait3A_549 = arith.constant 0 : i32
      %dma_wait3A_550 = tpu.memref_slice %arg6[%add3A_542, %dma_wait3A_548, %dma_wait3A_549] : memref<4096x50x64xf32, #tpu.memory_space<hbm>> -> memref<1x50x64xf32, #tpu.memory_space<hbm>>
      %dma_wait3A_551 = tpu.memref_squeeze %dma_wait3A_550 : memref<1x50x64xf32, #tpu.memory_space<hbm>> -> memref<50x64xf32, #tpu.memory_space<hbm>>
      %dma_wait3A_552 = arith.constant 0 : i32
      %dma_wait3A_553 = arith.constant 0 : i32
      %dma_wait3A_554 = tpu.memref_slice %arg6[%add3A_542, %dma_wait3A_552, %dma_wait3A_553] : memref<4096x50x64xf32, #tpu.memory_space<hbm>> -> memref<1x50x64xf32, #tpu.memory_space<hbm>>
      %dma_wait3A_555 = tpu.memref_squeeze %dma_wait3A_554 : memref<1x50x64xf32, #tpu.memory_space<hbm>> -> memref<50x64xf32, #tpu.memory_space<hbm>>
      %dma_wait3A_556 = arith.constant 300 : i32
      %dma_wait3A_557 = arith.constant 0 : i32
      %dma_wait3A_558 = tpu.memref_slice %arg9[%dma_wait3A_543, %dma_wait3A_556, %dma_wait3A_557] : memref<2x400x64xf32, #tpu.memory_space<vmem>> -> memref<1x50x64xf32, #tpu.memory_space<vmem>>
      %dma_wait3A_559 = tpu.memref_squeeze %dma_wait3A_558 : memref<1x50x64xf32, #tpu.memory_space<vmem>> -> memref<50x64xf32, #tpu.memory_space<vmem>>
      tpu.wait_dma2 semaphore(%arg15 : memref<!tpu.dma_semaphore, #tpu.memory_space<semaphore_mem>>) src(%dma_wait3A_559 : memref<50x64xf32, #tpu.memory_space<vmem>>) dst(%dma_wait3A_555 : memref<50x64xf32, #tpu.memory_space<hbm>>)
      %add3A_560 = arith.constant 7 : i32
      %add3A_561 = arith.addi %mul3A_426, %add3A_560 : i32
      %dma_wait3A_562 = arith.constant 0 : i32
      %dma_wait3A_563 = arith.constant 350 : i32
      %dma_wait3A_564 = arith.constant 0 : i32
      %dma_wait3A_565 = tpu.memref_slice %arg9[%dma_wait3A_562, %dma_wait3A_563, %dma_wait3A_564] : memref<2x400x64xf32, #tpu.memory_space<vmem>> -> memref<1x50x64xf32, #tpu.memory_space<vmem>>
      %dma_wait3A_566 = tpu.memref_squeeze %dma_wait3A_565 : memref<1x50x64xf32, #tpu.memory_space<vmem>> -> memref<50x64xf32, #tpu.memory_space<vmem>>
      %dma_wait3A_567 = arith.constant 0 : i32
      %dma_wait3A_568 = arith.constant 0 : i32
      %dma_wait3A_569 = tpu.memref_slice %arg6[%add3A_561, %dma_wait3A_567, %dma_wait3A_568] : memref<4096x50x64xf32, #tpu.memory_space<hbm>> -> memref<1x50x64xf32, #tpu.memory_space<hbm>>
      %dma_wait3A_570 = tpu.memref_squeeze %dma_wait3A_569 : memref<1x50x64xf32, #tpu.memory_space<hbm>> -> memref<50x64xf32, #tpu.memory_space<hbm>>
      %dma_wait3A_571 = arith.constant 0 : i32
      %dma_wait3A_572 = arith.constant 0 : i32
      %dma_wait3A_573 = tpu.memref_slice %arg6[%add3A_561, %dma_wait3A_571, %dma_wait3A_572] : memref<4096x50x64xf32, #tpu.memory_space<hbm>> -> memref<1x50x64xf32, #tpu.memory_space<hbm>>
      %dma_wait3A_574 = tpu.memref_squeeze %dma_wait3A_573 : memref<1x50x64xf32, #tpu.memory_space<hbm>> -> memref<50x64xf32, #tpu.memory_space<hbm>>
      %dma_wait3A_575 = arith.constant 350 : i32
      %dma_wait3A_576 = arith.constant 0 : i32
      %dma_wait3A_577 = tpu.memref_slice %arg9[%dma_wait3A_562, %dma_wait3A_575, %dma_wait3A_576] : memref<2x400x64xf32, #tpu.memory_space<vmem>> -> memref<1x50x64xf32, #tpu.memory_space<vmem>>
      %dma_wait3A_578 = tpu.memref_squeeze %dma_wait3A_577 : memref<1x50x64xf32, #tpu.memory_space<vmem>> -> memref<50x64xf32, #tpu.memory_space<vmem>>
      tpu.wait_dma2 semaphore(%arg15 : memref<!tpu.dma_semaphore, #tpu.memory_space<semaphore_mem>>) src(%dma_wait3A_578 : memref<50x64xf32, #tpu.memory_space<vmem>>) dst(%dma_wait3A_574 : memref<50x64xf32, #tpu.memory_space<hbm>>)
      %lt3A = arith.constant 7 : i32
      %lt3A_579 = arith.cmpi slt, %scan3A_186, %lt3A : i32
      %convert_element_type3A_580 = arith.extui %lt3A_579 : i1 to i32
      %cond3A_581 = arith.constant 0 : i32
      %cond3A_582 = arith.cmpi ne, %convert_element_type3A_580, %cond3A_581 : i32
      scf.if %cond3A_582 {
        %add3A_748 = arith.constant 2 : i32
        %add3A_749 = arith.addi %mul3A_188, %add3A_748 : i32
        %dma_start3A_750 = arith.constant 0 : i32
        %dma_start3A_751 = arith.constant 0 : i32
        %dma_start3A_752 = arith.constant 0 : i32
        %dma_start3A_753 = tpu.memref_slice %arg9[%dma_start3A_750, %dma_start3A_751, %dma_start3A_752] : memref<2x400x64xf32, #tpu.memory_space<vmem>> -> memref<1x400x64xf32, #tpu.memory_space<vmem>>
        %dma_start3A_754 = tpu.memref_squeeze %dma_start3A_753 : memref<1x400x64xf32, #tpu.memory_space<vmem>> -> memref<400x64xf32, #tpu.memory_space<vmem>>
        %dma_start3A_755 = arith.constant 0 : i32
        %dma_start3A_756 = tpu.memref_slice %arg7[%add3A_749, %dma_start3A_755] : memref<16x400xi32, #tpu.memory_space<vmem>> -> memref<1x400xi32, #tpu.memory_space<vmem>>
        %dma_start3A_757 = tpu.memref_squeeze %dma_start3A_756 : memref<1x400xi32, #tpu.memory_space<vmem>> -> memref<400xi32, #tpu.memory_space<vmem>>
        %dma_start3A_758 = arith.constant 0 : i32
        %dma_start3A_759 = arith.constant 0 : i32
        %dma_start3A_760 = tpu.memref_slice %arg4[%dma_start3A_758, %dma_start3A_759] : memref<100000x64xf32, #tpu.memory_space<hbm>> -> memref<100000x64xf32, #tpu.memory_space<hbm>>
        tpu.enqueue_indirect_dma source(%dma_start3A_760 : memref<100000x64xf32, #tpu.memory_space<hbm>>) target(%dma_start3A_754 : memref<400x64xf32, #tpu.memory_space<vmem>>) offsets(%dma_start3A_757 : memref<400xi32, #tpu.memory_space<vmem>>) semaphore(%arg11 : memref<!tpu.dma_semaphore, #tpu.memory_space<semaphore_mem>>)
        %dma_start3A_761 = arith.constant 0 : i32
        %dma_start3A_762 = arith.constant 0 : i32
        %dma_start3A_763 = arith.constant 0 : i32
        %dma_start3A_764 = tpu.memref_slice %arg10[%dma_start3A_761, %dma_start3A_762, %dma_start3A_763] : memref<2x400x64xf32, #tpu.memory_space<vmem>> -> memref<1x400x64xf32, #tpu.memory_space<vmem>>
        %dma_start3A_765 = tpu.memref_squeeze %dma_start3A_764 : memref<1x400x64xf32, #tpu.memory_space<vmem>> -> memref<400x64xf32, #tpu.memory_space<vmem>>
        %dma_start3A_766 = arith.constant 0 : i32
        %dma_start3A_767 = tpu.memref_slice %arg8[%add3A_749, %dma_start3A_766] : memref<16x400xi32, #tpu.memory_space<vmem>> -> memref<1x400xi32, #tpu.memory_space<vmem>>
        %dma_start3A_768 = tpu.memref_squeeze %dma_start3A_767 : memref<1x400xi32, #tpu.memory_space<vmem>> -> memref<400xi32, #tpu.memory_space<vmem>>
        %dma_start3A_769 = arith.constant 0 : i32
        %dma_start3A_770 = arith.constant 0 : i32
        %dma_start3A_771 = tpu.memref_slice %arg5[%dma_start3A_769, %dma_start3A_770] : memref<100000x64xf32, #tpu.memory_space<hbm>> -> memref<100000x64xf32, #tpu.memory_space<hbm>>
        tpu.enqueue_indirect_dma source(%dma_start3A_771 : memref<100000x64xf32, #tpu.memory_space<hbm>>) target(%dma_start3A_765 : memref<400x64xf32, #tpu.memory_space<vmem>>) offsets(%dma_start3A_768 : memref<400xi32, #tpu.memory_space<vmem>>) semaphore(%arg13 : memref<!tpu.dma_semaphore, #tpu.memory_space<semaphore_mem>>)
      } else {
      }
      %scan3A_583 = arith.constant 0 : i32
      %scan3A_584 = arith.constant 1 : i32
      %scan3A_585 = arith.constant 1 : i32
      %scan3A_586 = arith.constant 0 : i32
      %scan3A_587 = arith.constant 400 : i32
      %scan3A_588 = arith.addi %scan3A_586, %scan3A_587 : i32
      %scan3A_589 = arith.constant 1 : i32
      scf.for %scan3A_748 = %scan3A_586 to %scan3A_588 step %scan3A_589  : i32 {
        %get3A = arith.constant 0 : i32
        %get3A_749 = arith.constant 0 : i32
        %get3A_750 = tpu.memref_slice %arg9[%scan3A_584, %get3A, %get3A_749] : memref<2x400x64xf32, #tpu.memory_space<vmem>> -> memref<1x400x64xf32, #tpu.memory_space<vmem>>
        %get3A_751 = tpu.memref_squeeze %get3A_750 : memref<1x400x64xf32, #tpu.memory_space<vmem>> -> memref<400x64xf32, #tpu.memory_space<vmem>>
        %get3A_752 = arith.index_cast %scan3A_748 : i32 to index
        %get3A_753 = arith.constant 0 : index
        %get3A_754 = tpu.vector_load %get3A_751[%get3A_752, %get3A_753] {strides = array<i32>} : memref<400x64xf32, #tpu.memory_space<vmem>>, vector<1x16xf32>,
        %get3A_755 = vector.shape_cast %get3A_754 : vector<1x16xf32> to vector<16xf32>
        %get3A_756 = arith.constant 0 : i32
        %get3A_757 = arith.constant 0 : i32
        %get3A_758 = tpu.memref_slice %arg10[%scan3A_585, %get3A_756, %get3A_757] : memref<2x400x64xf32, #tpu.memory_space<vmem>> -> memref<1x400x64xf32, #tpu.memory_space<vmem>>
        %get3A_759 = tpu.memref_squeeze %get3A_758 : memref<1x400x64xf32, #tpu.memory_space<vmem>> -> memref<400x64xf32, #tpu.memory_space<vmem>>
        %get3A_760 = arith.index_cast %scan3A_748 : i32 to index
        %get3A_761 = arith.constant 0 : index
        %get3A_762 = tpu.vector_load %get3A_759[%get3A_760, %get3A_761] {strides = array<i32>} : memref<400x64xf32, #tpu.memory_space<vmem>>, vector<1x16xf32>,
        %get3A_763 = vector.shape_cast %get3A_762 : vector<1x16xf32> to vector<16xf32>
        %add3A_764 = arith.addf %get3A_755, %get3A_763 : vector<16xf32>
        %mul3A_765 = arith.constant 5.000000e-01 : f32
        %mul3A_766 = vector.broadcast %mul3A_765 : f32 to vector<16xf32>
        %mul3A_767 = arith.mulf %add3A_764, %mul3A_766 : vector<16xf32>
        %swap3A = arith.constant 0 : i32
        %swap3A_768 = arith.constant 0 : i32
        %swap3A_769 = tpu.memref_slice %arg9[%scan3A_584, %swap3A, %swap3A_768] : memref<2x400x64xf32, #tpu.memory_space<vmem>> -> memref<1x400x64xf32, #tpu.memory_space<vmem>>
        %swap3A_770 = tpu.memref_squeeze %swap3A_769 : memref<1x400x64xf32, #tpu.memory_space<vmem>> -> memref<400x64xf32, #tpu.memory_space<vmem>>
        %swap3A_771 = arith.index_cast %scan3A_748 : i32 to index
        %swap3A_772 = arith.constant 0 : index
        %swap3A_773 = tpu.vector_load %swap3A_770[%swap3A_771, %swap3A_772] {strides = array<i32>} : memref<400x64xf32, #tpu.memory_space<vmem>>, vector<1x16xf32>,
        %swap3A_774 = vector.shape_cast %swap3A_773 : vector<1x16xf32> to vector<16xf32>
        %swap3A_775 = vector.shape_cast %mul3A_767 : vector<16xf32> to vector<1x16xf32>
        tpu.vector_store %swap3A_770[%swap3A_771, %swap3A_772], %swap3A_775 {strides = array<i32>} : memref<400x64xf32, #tpu.memory_space<vmem>>, vector<1x16xf32>,
        %get3A_776 = arith.constant 0 : i32
        %get3A_777 = arith.constant 0 : i32
        %get3A_778 = tpu.memref_slice %arg9[%scan3A_584, %get3A_776, %get3A_777] : memref<2x400x64xf32, #tpu.memory_space<vmem>> -> memref<1x400x64xf32, #tpu.memory_space<vmem>>
        %get3A_779 = tpu.memref_squeeze %get3A_778 : memref<1x400x64xf32, #tpu.memory_space<vmem>> -> memref<400x64xf32, #tpu.memory_space<vmem>>
        %get3A_780 = arith.index_cast %scan3A_748 : i32 to index
        %get3A_781 = arith.constant 16 : index
        %get3A_782 = tpu.vector_load %get3A_779[%get3A_780, %get3A_781] {strides = array<i32>} : memref<400x64xf32, #tpu.memory_space<vmem>>, vector<1x16xf32>,
        %get3A_783 = vector.shape_cast %get3A_782 : vector<1x16xf32> to vector<16xf32>
        %get3A_784 = arith.constant 0 : i32
        %get3A_785 = arith.constant 0 : i32
        %get3A_786 = tpu.memref_slice %arg10[%scan3A_585, %get3A_784, %get3A_785] : memref<2x400x64xf32, #tpu.memory_space<vmem>> -> memref<1x400x64xf32, #tpu.memory_space<vmem>>
        %get3A_787 = tpu.memref_squeeze %get3A_786 : memref<1x400x64xf32, #tpu.memory_space<vmem>> -> memref<400x64xf32, #tpu.memory_space<vmem>>
        %get3A_788 = arith.index_cast %scan3A_748 : i32 to index
        %get3A_789 = arith.constant 16 : index
        %get3A_790 = tpu.vector_load %get3A_787[%get3A_788, %get3A_789] {strides = array<i32>} : memref<400x64xf32, #tpu.memory_space<vmem>>, vector<1x16xf32>,
        %get3A_791 = vector.shape_cast %get3A_790 : vector<1x16xf32> to vector<16xf32>
        %add3A_792 = arith.addf %get3A_783, %get3A_791 : vector<16xf32>
        %mul3A_793 = arith.constant 5.000000e-01 : f32
        %mul3A_794 = vector.broadcast %mul3A_793 : f32 to vector<16xf32>
        %mul3A_795 = arith.mulf %add3A_792, %mul3A_794 : vector<16xf32>
        %swap3A_796 = arith.constant 0 : i32
        %swap3A_797 = arith.constant 0 : i32
        %swap3A_798 = tpu.memref_slice %arg9[%scan3A_584, %swap3A_796, %swap3A_797] : memref<2x400x64xf32, #tpu.memory_space<vmem>> -> memref<1x400x64xf32, #tpu.memory_space<vmem>>
        %swap3A_799 = tpu.memref_squeeze %swap3A_798 : memref<1x400x64xf32, #tpu.memory_space<vmem>> -> memref<400x64xf32, #tpu.memory_space<vmem>>
        %swap3A_800 = arith.index_cast %scan3A_748 : i32 to index
        %swap3A_801 = arith.constant 16 : index
        %swap3A_802 = tpu.vector_load %swap3A_799[%swap3A_800, %swap3A_801] {strides = array<i32>} : memref<400x64xf32, #tpu.memory_space<vmem>>, vector<1x16xf32>,
        %swap3A_803 = vector.shape_cast %swap3A_802 : vector<1x16xf32> to vector<16xf32>
        %swap3A_804 = vector.shape_cast %mul3A_795 : vector<16xf32> to vector<1x16xf32>
        tpu.vector_store %swap3A_799[%swap3A_800, %swap3A_801], %swap3A_804 {strides = array<i32>} : memref<400x64xf32, #tpu.memory_space<vmem>>, vector<1x16xf32>,
        %get3A_805 = arith.constant 0 : i32
        %get3A_806 = arith.constant 0 : i32
        %get3A_807 = tpu.memref_slice %arg9[%scan3A_584, %get3A_805, %get3A_806] : memref<2x400x64xf32, #tpu.memory_space<vmem>> -> memref<1x400x64xf32, #tpu.memory_space<vmem>>
        %get3A_808 = tpu.memref_squeeze %get3A_807 : memref<1x400x64xf32, #tpu.memory_space<vmem>> -> memref<400x64xf32, #tpu.memory_space<vmem>>
        %get3A_809 = arith.index_cast %scan3A_748 : i32 to index
        %get3A_810 = arith.constant 32 : index
        %get3A_811 = tpu.vector_load %get3A_808[%get3A_809, %get3A_810] {strides = array<i32>} : memref<400x64xf32, #tpu.memory_space<vmem>>, vector<1x16xf32>,
        %get3A_812 = vector.shape_cast %get3A_811 : vector<1x16xf32> to vector<16xf32>
        %get3A_813 = arith.constant 0 : i32
        %get3A_814 = arith.constant 0 : i32
        %get3A_815 = tpu.memref_slice %arg10[%scan3A_585, %get3A_813, %get3A_814] : memref<2x400x64xf32, #tpu.memory_space<vmem>> -> memref<1x400x64xf32, #tpu.memory_space<vmem>>
        %get3A_816 = tpu.memref_squeeze %get3A_815 : memref<1x400x64xf32, #tpu.memory_space<vmem>> -> memref<400x64xf32, #tpu.memory_space<vmem>>
        %get3A_817 = arith.index_cast %scan3A_748 : i32 to index
        %get3A_818 = arith.constant 32 : index
        %get3A_819 = tpu.vector_load %get3A_816[%get3A_817, %get3A_818] {strides = array<i32>} : memref<400x64xf32, #tpu.memory_space<vmem>>, vector<1x16xf32>,
        %get3A_820 = vector.shape_cast %get3A_819 : vector<1x16xf32> to vector<16xf32>
        %add3A_821 = arith.addf %get3A_812, %get3A_820 : vector<16xf32>
        %mul3A_822 = arith.constant 5.000000e-01 : f32
        %mul3A_823 = vector.broadcast %mul3A_822 : f32 to vector<16xf32>
        %mul3A_824 = arith.mulf %add3A_821, %mul3A_823 : vector<16xf32>
        %swap3A_825 = arith.constant 0 : i32
        %swap3A_826 = arith.constant 0 : i32
        %swap3A_827 = tpu.memref_slice %arg9[%scan3A_584, %swap3A_825, %swap3A_826] : memref<2x400x64xf32, #tpu.memory_space<vmem>> -> memref<1x400x64xf32, #tpu.memory_space<vmem>>
        %swap3A_828 = tpu.memref_squeeze %swap3A_827 : memref<1x400x64xf32, #tpu.memory_space<vmem>> -> memref<400x64xf32, #tpu.memory_space<vmem>>
        %swap3A_829 = arith.index_cast %scan3A_748 : i32 to index
        %swap3A_830 = arith.constant 32 : index
        %swap3A_831 = tpu.vector_load %swap3A_828[%swap3A_829, %swap3A_830] {strides = array<i32>} : memref<400x64xf32, #tpu.memory_space<vmem>>, vector<1x16xf32>,
        %swap3A_832 = vector.shape_cast %swap3A_831 : vector<1x16xf32> to vector<16xf32>
        %swap3A_833 = vector.shape_cast %mul3A_824 : vector<16xf32> to vector<1x16xf32>
        tpu.vector_store %swap3A_828[%swap3A_829, %swap3A_830], %swap3A_833 {strides = array<i32>} : memref<400x64xf32, #tpu.memory_space<vmem>>, vector<1x16xf32>,
        %get3A_834 = arith.constant 0 : i32
        %get3A_835 = arith.constant 0 : i32
        %get3A_836 = tpu.memref_slice %arg9[%scan3A_584, %get3A_834, %get3A_835] : memref<2x400x64xf32, #tpu.memory_space<vmem>> -> memref<1x400x64xf32, #tpu.memory_space<vmem>>
        %get3A_837 = tpu.memref_squeeze %get3A_836 : memref<1x400x64xf32, #tpu.memory_space<vmem>> -> memref<400x64xf32, #tpu.memory_space<vmem>>
        %get3A_838 = arith.index_cast %scan3A_748 : i32 to index
        %get3A_839 = arith.constant 48 : index
        %get3A_840 = tpu.vector_load %get3A_837[%get3A_838, %get3A_839] {strides = array<i32>} : memref<400x64xf32, #tpu.memory_space<vmem>>, vector<1x16xf32>,
        %get3A_841 = vector.shape_cast %get3A_840 : vector<1x16xf32> to vector<16xf32>
        %get3A_842 = arith.constant 0 : i32
        %get3A_843 = arith.constant 0 : i32
        %get3A_844 = tpu.memref_slice %arg10[%scan3A_585, %get3A_842, %get3A_843] : memref<2x400x64xf32, #tpu.memory_space<vmem>> -> memref<1x400x64xf32, #tpu.memory_space<vmem>>
        %get3A_845 = tpu.memref_squeeze %get3A_844 : memref<1x400x64xf32, #tpu.memory_space<vmem>> -> memref<400x64xf32, #tpu.memory_space<vmem>>
        %get3A_846 = arith.index_cast %scan3A_748 : i32 to index
        %get3A_847 = arith.constant 48 : index
        %get3A_848 = tpu.vector_load %get3A_845[%get3A_846, %get3A_847] {strides = array<i32>} : memref<400x64xf32, #tpu.memory_space<vmem>>, vector<1x16xf32>,
        %get3A_849 = vector.shape_cast %get3A_848 : vector<1x16xf32> to vector<16xf32>
        %add3A_850 = arith.addf %get3A_841, %get3A_849 : vector<16xf32>
        %mul3A_851 = arith.constant 5.000000e-01 : f32
        %mul3A_852 = vector.broadcast %mul3A_851 : f32 to vector<16xf32>
        %mul3A_853 = arith.mulf %add3A_850, %mul3A_852 : vector<16xf32>
        %swap3A_854 = arith.constant 0 : i32
        %swap3A_855 = arith.constant 0 : i32
        %swap3A_856 = tpu.memref_slice %arg9[%scan3A_584, %swap3A_854, %swap3A_855] : memref<2x400x64xf32, #tpu.memory_space<vmem>> -> memref<1x400x64xf32, #tpu.memory_space<vmem>>
        %swap3A_857 = tpu.memref_squeeze %swap3A_856 : memref<1x400x64xf32, #tpu.memory_space<vmem>> -> memref<400x64xf32, #tpu.memory_space<vmem>>
        %swap3A_858 = arith.index_cast %scan3A_748 : i32 to index
        %swap3A_859 = arith.constant 48 : index
        %swap3A_860 = tpu.vector_load %swap3A_857[%swap3A_858, %swap3A_859] {strides = array<i32>} : memref<400x64xf32, #tpu.memory_space<vmem>>, vector<1x16xf32>,
        %swap3A_861 = vector.shape_cast %swap3A_860 : vector<1x16xf32> to vector<16xf32>
        %swap3A_862 = vector.shape_cast %mul3A_853 : vector<16xf32> to vector<1x16xf32>
        tpu.vector_store %swap3A_857[%swap3A_858, %swap3A_859], %swap3A_862 {strides = array<i32>} : memref<400x64xf32, #tpu.memory_space<vmem>>, vector<1x16xf32>,
      }
      %scan3A_590 = arith.constant 400 : i32
      %add3A_591 = arith.constant 1 : i32
      %add3A_592 = arith.addi %mul3A_188, %add3A_591 : i32
      %add3A_593 = arith.addi %mul3A_2, %add3A_592 : i32
      %mul3A_594 = arith.constant 8 : i32
      %mul3A_595 = arith.muli %add3A_593, %mul3A_594 : i32
      %add3A_596 = arith.constant 0 : i32
      %add3A_597 = arith.addi %mul3A_595, %add3A_596 : i32
      %dma_start3A_598 = arith.constant 1 : i32
      %dma_start3A_599 = arith.constant 0 : i32
      %dma_start3A_600 = arith.constant 0 : i32
      %dma_start3A_601 = tpu.memref_slice %arg9[%dma_start3A_598, %dma_start3A_599, %dma_start3A_600] : memref<2x400x64xf32, #tpu.memory_space<vmem>> -> memref<1x50x64xf32, #tpu.memory_space<vmem>>
      %dma_start3A_602 = tpu.memref_squeeze %dma_start3A_601 : memref<1x50x64xf32, #tpu.memory_space<vmem>> -> memref<50x64xf32, #tpu.memory_space<vmem>>
      %dma_start3A_603 = arith.constant 0 : i32
      %dma_start3A_604 = arith.constant 0 : i32
      %dma_start3A_605 = tpu.memref_slice %arg6[%add3A_597, %dma_start3A_603, %dma_start3A_604] : memref<4096x50x64xf32, #tpu.memory_space<hbm>> -> memref<1x50x64xf32, #tpu.memory_space<hbm>>
      %dma_start3A_606 = tpu.memref_squeeze %dma_start3A_605 : memref<1x50x64xf32, #tpu.memory_space<hbm>> -> memref<50x64xf32, #tpu.memory_space<hbm>>
      %dma_start3A_607 = arith.constant 0 : i32
      %dma_start3A_608 = arith.constant 0 : i32
      %dma_start3A_609 = tpu.memref_slice %arg6[%add3A_597, %dma_start3A_607, %dma_start3A_608] : memref<4096x50x64xf32, #tpu.memory_space<hbm>> -> memref<1x50x64xf32, #tpu.memory_space<hbm>>
      %dma_start3A_610 = tpu.memref_squeeze %dma_start3A_609 : memref<1x50x64xf32, #tpu.memory_space<hbm>> -> memref<50x64xf32, #tpu.memory_space<hbm>>
      %dma_start3A_611 = arith.constant 0 : i32
      %dma_start3A_612 = arith.constant 0 : i32
      %dma_start3A_613 = tpu.memref_slice %arg9[%dma_start3A_598, %dma_start3A_611, %dma_start3A_612] : memref<2x400x64xf32, #tpu.memory_space<vmem>> -> memref<1x50x64xf32, #tpu.memory_space<vmem>>
      %dma_start3A_614 = tpu.memref_squeeze %dma_start3A_613 : memref<1x50x64xf32, #tpu.memory_space<vmem>> -> memref<50x64xf32, #tpu.memory_space<vmem>>
      tpu.enqueue_dma source(%dma_start3A_614 : memref<50x64xf32, #tpu.memory_space<vmem>>) target(%dma_start3A_610 : memref<50x64xf32, #tpu.memory_space<hbm>>) target_semaphore(%arg16 : memref<!tpu.dma_semaphore, #tpu.memory_space<semaphore_mem>>)
      %add3A_615 = arith.constant 1 : i32
      %add3A_616 = arith.addi %mul3A_595, %add3A_615 : i32
      %dma_start3A_617 = arith.constant 1 : i32
      %dma_start3A_618 = arith.constant 50 : i32
      %dma_start3A_619 = arith.constant 0 : i32
      %dma_start3A_620 = tpu.memref_slice %arg9[%dma_start3A_617, %dma_start3A_618, %dma_start3A_619] : memref<2x400x64xf32, #tpu.memory_space<vmem>> -> memref<1x50x64xf32, #tpu.memory_space<vmem>>
      %dma_start3A_621 = tpu.memref_squeeze %dma_start3A_620 : memref<1x50x64xf32, #tpu.memory_space<vmem>> -> memref<50x64xf32, #tpu.memory_space<vmem>>
      %dma_start3A_622 = arith.constant 0 : i32
      %dma_start3A_623 = arith.constant 0 : i32
      %dma_start3A_624 = tpu.memref_slice %arg6[%add3A_616, %dma_start3A_622, %dma_start3A_623] : memref<4096x50x64xf32, #tpu.memory_space<hbm>> -> memref<1x50x64xf32, #tpu.memory_space<hbm>>
      %dma_start3A_625 = tpu.memref_squeeze %dma_start3A_624 : memref<1x50x64xf32, #tpu.memory_space<hbm>> -> memref<50x64xf32, #tpu.memory_space<hbm>>
      %dma_start3A_626 = arith.constant 0 : i32
      %dma_start3A_627 = arith.constant 0 : i32
      %dma_start3A_628 = tpu.memref_slice %arg6[%add3A_616, %dma_start3A_626, %dma_start3A_627] : memref<4096x50x64xf32, #tpu.memory_space<hbm>> -> memref<1x50x64xf32, #tpu.memory_space<hbm>>
      %dma_start3A_629 = tpu.memref_squeeze %dma_start3A_628 : memref<1x50x64xf32, #tpu.memory_space<hbm>> -> memref<50x64xf32, #tpu.memory_space<hbm>>
      %dma_start3A_630 = arith.constant 50 : i32
      %dma_start3A_631 = arith.constant 0 : i32
      %dma_start3A_632 = tpu.memref_slice %arg9[%dma_start3A_617, %dma_start3A_630, %dma_start3A_631] : memref<2x400x64xf32, #tpu.memory_space<vmem>> -> memref<1x50x64xf32, #tpu.memory_space<vmem>>
      %dma_start3A_633 = tpu.memref_squeeze %dma_start3A_632 : memref<1x50x64xf32, #tpu.memory_space<vmem>> -> memref<50x64xf32, #tpu.memory_space<vmem>>
      tpu.enqueue_dma source(%dma_start3A_633 : memref<50x64xf32, #tpu.memory_space<vmem>>) target(%dma_start3A_629 : memref<50x64xf32, #tpu.memory_space<hbm>>) target_semaphore(%arg16 : memref<!tpu.dma_semaphore, #tpu.memory_space<semaphore_mem>>)
      %add3A_634 = arith.constant 2 : i32
      %add3A_635 = arith.addi %mul3A_595, %add3A_634 : i32
      %dma_start3A_636 = arith.constant 1 : i32
      %dma_start3A_637 = arith.constant 100 : i32
      %dma_start3A_638 = arith.constant 0 : i32
      %dma_start3A_639 = tpu.memref_slice %arg9[%dma_start3A_636, %dma_start3A_637, %dma_start3A_638] : memref<2x400x64xf32, #tpu.memory_space<vmem>> -> memref<1x50x64xf32, #tpu.memory_space<vmem>>
      %dma_start3A_640 = tpu.memref_squeeze %dma_start3A_639 : memref<1x50x64xf32, #tpu.memory_space<vmem>> -> memref<50x64xf32, #tpu.memory_space<vmem>>
      %dma_start3A_641 = arith.constant 0 : i32
      %dma_start3A_642 = arith.constant 0 : i32
      %dma_start3A_643 = tpu.memref_slice %arg6[%add3A_635, %dma_start3A_641, %dma_start3A_642] : memref<4096x50x64xf32, #tpu.memory_space<hbm>> -> memref<1x50x64xf32, #tpu.memory_space<hbm>>
      %dma_start3A_644 = tpu.memref_squeeze %dma_start3A_643 : memref<1x50x64xf32, #tpu.memory_space<hbm>> -> memref<50x64xf32, #tpu.memory_space<hbm>>
      %dma_start3A_645 = arith.constant 0 : i32
      %dma_start3A_646 = arith.constant 0 : i32
      %dma_start3A_647 = tpu.memref_slice %arg6[%add3A_635, %dma_start3A_645, %dma_start3A_646] : memref<4096x50x64xf32, #tpu.memory_space<hbm>> -> memref<1x50x64xf32, #tpu.memory_space<hbm>>
      %dma_start3A_648 = tpu.memref_squeeze %dma_start3A_647 : memref<1x50x64xf32, #tpu.memory_space<hbm>> -> memref<50x64xf32, #tpu.memory_space<hbm>>
      %dma_start3A_649 = arith.constant 100 : i32
      %dma_start3A_650 = arith.constant 0 : i32
      %dma_start3A_651 = tpu.memref_slice %arg9[%dma_start3A_636, %dma_start3A_649, %dma_start3A_650] : memref<2x400x64xf32, #tpu.memory_space<vmem>> -> memref<1x50x64xf32, #tpu.memory_space<vmem>>
      %dma_start3A_652 = tpu.memref_squeeze %dma_start3A_651 : memref<1x50x64xf32, #tpu.memory_space<vmem>> -> memref<50x64xf32, #tpu.memory_space<vmem>>
      tpu.enqueue_dma source(%dma_start3A_652 : memref<50x64xf32, #tpu.memory_space<vmem>>) target(%dma_start3A_648 : memref<50x64xf32, #tpu.memory_space<hbm>>) target_semaphore(%arg16 : memref<!tpu.dma_semaphore, #tpu.memory_space<semaphore_mem>>)
      %add3A_653 = arith.constant 3 : i32
      %add3A_654 = arith.addi %mul3A_595, %add3A_653 : i32
      %dma_start3A_655 = arith.constant 1 : i32
      %dma_start3A_656 = arith.constant 150 : i32
      %dma_start3A_657 = arith.constant 0 : i32
      %dma_start3A_658 = tpu.memref_slice %arg9[%dma_start3A_655, %dma_start3A_656, %dma_start3A_657] : memref<2x400x64xf32, #tpu.memory_space<vmem>> -> memref<1x50x64xf32, #tpu.memory_space<vmem>>
      %dma_start3A_659 = tpu.memref_squeeze %dma_start3A_658 : memref<1x50x64xf32, #tpu.memory_space<vmem>> -> memref<50x64xf32, #tpu.memory_space<vmem>>
      %dma_start3A_660 = arith.constant 0 : i32
      %dma_start3A_661 = arith.constant 0 : i32
      %dma_start3A_662 = tpu.memref_slice %arg6[%add3A_654, %dma_start3A_660, %dma_start3A_661] : memref<4096x50x64xf32, #tpu.memory_space<hbm>> -> memref<1x50x64xf32, #tpu.memory_space<hbm>>
      %dma_start3A_663 = tpu.memref_squeeze %dma_start3A_662 : memref<1x50x64xf32, #tpu.memory_space<hbm>> -> memref<50x64xf32, #tpu.memory_space<hbm>>
      %dma_start3A_664 = arith.constant 0 : i32
      %dma_start3A_665 = arith.constant 0 : i32
      %dma_start3A_666 = tpu.memref_slice %arg6[%add3A_654, %dma_start3A_664, %dma_start3A_665] : memref<4096x50x64xf32, #tpu.memory_space<hbm>> -> memref<1x50x64xf32, #tpu.memory_space<hbm>>
      %dma_start3A_667 = tpu.memref_squeeze %dma_start3A_666 : memref<1x50x64xf32, #tpu.memory_space<hbm>> -> memref<50x64xf32, #tpu.memory_space<hbm>>
      %dma_start3A_668 = arith.constant 150 : i32
      %dma_start3A_669 = arith.constant 0 : i32
      %dma_start3A_670 = tpu.memref_slice %arg9[%dma_start3A_655, %dma_start3A_668, %dma_start3A_669] : memref<2x400x64xf32, #tpu.memory_space<vmem>> -> memref<1x50x64xf32, #tpu.memory_space<vmem>>
      %dma_start3A_671 = tpu.memref_squeeze %dma_start3A_670 : memref<1x50x64xf32, #tpu.memory_space<vmem>> -> memref<50x64xf32, #tpu.memory_space<vmem>>
      tpu.enqueue_dma source(%dma_start3A_671 : memref<50x64xf32, #tpu.memory_space<vmem>>) target(%dma_start3A_667 : memref<50x64xf32, #tpu.memory_space<hbm>>) target_semaphore(%arg16 : memref<!tpu.dma_semaphore, #tpu.memory_space<semaphore_mem>>)
      %add3A_672 = arith.constant 4 : i32
      %add3A_673 = arith.addi %mul3A_595, %add3A_672 : i32
      %dma_start3A_674 = arith.constant 1 : i32
      %dma_start3A_675 = arith.constant 200 : i32
      %dma_start3A_676 = arith.constant 0 : i32
      %dma_start3A_677 = tpu.memref_slice %arg9[%dma_start3A_674, %dma_start3A_675, %dma_start3A_676] : memref<2x400x64xf32, #tpu.memory_space<vmem>> -> memref<1x50x64xf32, #tpu.memory_space<vmem>>
      %dma_start3A_678 = tpu.memref_squeeze %dma_start3A_677 : memref<1x50x64xf32, #tpu.memory_space<vmem>> -> memref<50x64xf32, #tpu.memory_space<vmem>>
      %dma_start3A_679 = arith.constant 0 : i32
      %dma_start3A_680 = arith.constant 0 : i32
      %dma_start3A_681 = tpu.memref_slice %arg6[%add3A_673, %dma_start3A_679, %dma_start3A_680] : memref<4096x50x64xf32, #tpu.memory_space<hbm>> -> memref<1x50x64xf32, #tpu.memory_space<hbm>>
      %dma_start3A_682 = tpu.memref_squeeze %dma_start3A_681 : memref<1x50x64xf32, #tpu.memory_space<hbm>> -> memref<50x64xf32, #tpu.memory_space<hbm>>
      %dma_start3A_683 = arith.constant 0 : i32
      %dma_start3A_684 = arith.constant 0 : i32
      %dma_start3A_685 = tpu.memref_slice %arg6[%add3A_673, %dma_start3A_683, %dma_start3A_684] : memref<4096x50x64xf32, #tpu.memory_space<hbm>> -> memref<1x50x64xf32, #tpu.memory_space<hbm>>
      %dma_start3A_686 = tpu.memref_squeeze %dma_start3A_685 : memref<1x50x64xf32, #tpu.memory_space<hbm>> -> memref<50x64xf32, #tpu.memory_space<hbm>>
      %dma_start3A_687 = arith.constant 200 : i32
      %dma_start3A_688 = arith.constant 0 : i32
      %dma_start3A_689 = tpu.memref_slice %arg9[%dma_start3A_674, %dma_start3A_687, %dma_start3A_688] : memref<2x400x64xf32, #tpu.memory_space<vmem>> -> memref<1x50x64xf32, #tpu.memory_space<vmem>>
      %dma_start3A_690 = tpu.memref_squeeze %dma_start3A_689 : memref<1x50x64xf32, #tpu.memory_space<vmem>> -> memref<50x64xf32, #tpu.memory_space<vmem>>
      tpu.enqueue_dma source(%dma_start3A_690 : memref<50x64xf32, #tpu.memory_space<vmem>>) target(%dma_start3A_686 : memref<50x64xf32, #tpu.memory_space<hbm>>) target_semaphore(%arg16 : memref<!tpu.dma_semaphore, #tpu.memory_space<semaphore_mem>>)
      %add3A_691 = arith.constant 5 : i32
      %add3A_692 = arith.addi %mul3A_595, %add3A_691 : i32
      %dma_start3A_693 = arith.constant 1 : i32
      %dma_start3A_694 = arith.constant 250 : i32
      %dma_start3A_695 = arith.constant 0 : i32
      %dma_start3A_696 = tpu.memref_slice %arg9[%dma_start3A_693, %dma_start3A_694, %dma_start3A_695] : memref<2x400x64xf32, #tpu.memory_space<vmem>> -> memref<1x50x64xf32, #tpu.memory_space<vmem>>
      %dma_start3A_697 = tpu.memref_squeeze %dma_start3A_696 : memref<1x50x64xf32, #tpu.memory_space<vmem>> -> memref<50x64xf32, #tpu.memory_space<vmem>>
      %dma_start3A_698 = arith.constant 0 : i32
      %dma_start3A_699 = arith.constant 0 : i32
      %dma_start3A_700 = tpu.memref_slice %arg6[%add3A_692, %dma_start3A_698, %dma_start3A_699] : memref<4096x50x64xf32, #tpu.memory_space<hbm>> -> memref<1x50x64xf32, #tpu.memory_space<hbm>>
      %dma_start3A_701 = tpu.memref_squeeze %dma_start3A_700 : memref<1x50x64xf32, #tpu.memory_space<hbm>> -> memref<50x64xf32, #tpu.memory_space<hbm>>
      %dma_start3A_702 = arith.constant 0 : i32
      %dma_start3A_703 = arith.constant 0 : i32
      %dma_start3A_704 = tpu.memref_slice %arg6[%add3A_692, %dma_start3A_702, %dma_start3A_703] : memref<4096x50x64xf32, #tpu.memory_space<hbm>> -> memref<1x50x64xf32, #tpu.memory_space<hbm>>
      %dma_start3A_705 = tpu.memref_squeeze %dma_start3A_704 : memref<1x50x64xf32, #tpu.memory_space<hbm>> -> memref<50x64xf32, #tpu.memory_space<hbm>>
      %dma_start3A_706 = arith.constant 250 : i32
      %dma_start3A_707 = arith.constant 0 : i32
      %dma_start3A_708 = tpu.memref_slice %arg9[%dma_start3A_693, %dma_start3A_706, %dma_start3A_707] : memref<2x400x64xf32, #tpu.memory_space<vmem>> -> memref<1x50x64xf32, #tpu.memory_space<vmem>>
      %dma_start3A_709 = tpu.memref_squeeze %dma_start3A_708 : memref<1x50x64xf32, #tpu.memory_space<vmem>> -> memref<50x64xf32, #tpu.memory_space<vmem>>
      tpu.enqueue_dma source(%dma_start3A_709 : memref<50x64xf32, #tpu.memory_space<vmem>>) target(%dma_start3A_705 : memref<50x64xf32, #tpu.memory_space<hbm>>) target_semaphore(%arg16 : memref<!tpu.dma_semaphore, #tpu.memory_space<semaphore_mem>>)
      %add3A_710 = arith.constant 6 : i32
      %add3A_711 = arith.addi %mul3A_595, %add3A_710 : i32
      %dma_start3A_712 = arith.constant 1 : i32
      %dma_start3A_713 = arith.constant 300 : i32
      %dma_start3A_714 = arith.constant 0 : i32
      %dma_start3A_715 = tpu.memref_slice %arg9[%dma_start3A_712, %dma_start3A_713, %dma_start3A_714] : memref<2x400x64xf32, #tpu.memory_space<vmem>> -> memref<1x50x64xf32, #tpu.memory_space<vmem>>
      %dma_start3A_716 = tpu.memref_squeeze %dma_start3A_715 : memref<1x50x64xf32, #tpu.memory_space<vmem>> -> memref<50x64xf32, #tpu.memory_space<vmem>>
      %dma_start3A_717 = arith.constant 0 : i32
      %dma_start3A_718 = arith.constant 0 : i32
      %dma_start3A_719 = tpu.memref_slice %arg6[%add3A_711, %dma_start3A_717, %dma_start3A_718] : memref<4096x50x64xf32, #tpu.memory_space<hbm>> -> memref<1x50x64xf32, #tpu.memory_space<hbm>>
      %dma_start3A_720 = tpu.memref_squeeze %dma_start3A_719 : memref<1x50x64xf32, #tpu.memory_space<hbm>> -> memref<50x64xf32, #tpu.memory_space<hbm>>
      %dma_start3A_721 = arith.constant 0 : i32
      %dma_start3A_722 = arith.constant 0 : i32
      %dma_start3A_723 = tpu.memref_slice %arg6[%add3A_711, %dma_start3A_721, %dma_start3A_722] : memref<4096x50x64xf32, #tpu.memory_space<hbm>> -> memref<1x50x64xf32, #tpu.memory_space<hbm>>
      %dma_start3A_724 = tpu.memref_squeeze %dma_start3A_723 : memref<1x50x64xf32, #tpu.memory_space<hbm>> -> memref<50x64xf32, #tpu.memory_space<hbm>>
      %dma_start3A_725 = arith.constant 300 : i32
      %dma_start3A_726 = arith.constant 0 : i32
      %dma_start3A_727 = tpu.memref_slice %arg9[%dma_start3A_712, %dma_start3A_725, %dma_start3A_726] : memref<2x400x64xf32, #tpu.memory_space<vmem>> -> memref<1x50x64xf32, #tpu.memory_space<vmem>>
      %dma_start3A_728 = tpu.memref_squeeze %dma_start3A_727 : memref<1x50x64xf32, #tpu.memory_space<vmem>> -> memref<50x64xf32, #tpu.memory_space<vmem>>
      tpu.enqueue_dma source(%dma_start3A_728 : memref<50x64xf32, #tpu.memory_space<vmem>>) target(%dma_start3A_724 : memref<50x64xf32, #tpu.memory_space<hbm>>) target_semaphore(%arg16 : memref<!tpu.dma_semaphore, #tpu.memory_space<semaphore_mem>>)
      %add3A_729 = arith.constant 7 : i32
      %add3A_730 = arith.addi %mul3A_595, %add3A_729 : i32
      %dma_start3A_731 = arith.constant 1 : i32
      %dma_start3A_732 = arith.constant 350 : i32
      %dma_start3A_733 = arith.constant 0 : i32
      %dma_start3A_734 = tpu.memref_slice %arg9[%dma_start3A_731, %dma_start3A_732, %dma_start3A_733] : memref<2x400x64xf32, #tpu.memory_space<vmem>> -> memref<1x50x64xf32, #tpu.memory_space<vmem>>
      %dma_start3A_735 = tpu.memref_squeeze %dma_start3A_734 : memref<1x50x64xf32, #tpu.memory_space<vmem>> -> memref<50x64xf32, #tpu.memory_space<vmem>>
      %dma_start3A_736 = arith.constant 0 : i32
      %dma_start3A_737 = arith.constant 0 : i32
      %dma_start3A_738 = tpu.memref_slice %arg6[%add3A_730, %dma_start3A_736, %dma_start3A_737] : memref<4096x50x64xf32, #tpu.memory_space<hbm>> -> memref<1x50x64xf32, #tpu.memory_space<hbm>>
      %dma_start3A_739 = tpu.memref_squeeze %dma_start3A_738 : memref<1x50x64xf32, #tpu.memory_space<hbm>> -> memref<50x64xf32, #tpu.memory_space<hbm>>
      %dma_start3A_740 = arith.constant 0 : i32
      %dma_start3A_741 = arith.constant 0 : i32
      %dma_start3A_742 = tpu.memref_slice %arg6[%add3A_730, %dma_start3A_740, %dma_start3A_741] : memref<4096x50x64xf32, #tpu.memory_space<hbm>> -> memref<1x50x64xf32, #tpu.memory_space<hbm>>
      %dma_start3A_743 = tpu.memref_squeeze %dma_start3A_742 : memref<1x50x64xf32, #tpu.memory_space<hbm>> -> memref<50x64xf32, #tpu.memory_space<hbm>>
      %dma_start3A_744 = arith.constant 350 : i32
      %dma_start3A_745 = arith.constant 0 : i32
      %dma_start3A_746 = tpu.memref_slice %arg9[%dma_start3A_731, %dma_start3A_744, %dma_start3A_745] : memref<2x400x64xf32, #tpu.memory_space<vmem>> -> memref<1x50x64xf32, #tpu.memory_space<vmem>>
      %dma_start3A_747 = tpu.memref_squeeze %dma_start3A_746 : memref<1x50x64xf32, #tpu.memory_space<vmem>> -> memref<50x64xf32, #tpu.memory_space<vmem>>
      tpu.enqueue_dma source(%dma_start3A_747 : memref<50x64xf32, #tpu.memory_space<vmem>>) target(%dma_start3A_743 : memref<50x64xf32, #tpu.memory_space<hbm>>) target_semaphore(%arg16 : memref<!tpu.dma_semaphore, #tpu.memory_space<semaphore_mem>>)
    }
    %scan3A_30 = arith.constant 8 : i32
    %add3A_31 = arith.constant 15 : i32
    %add3A_32 = arith.addi %mul3A_2, %add3A_31 : i32
    %mul3A_33 = arith.constant 8 : i32
    %mul3A_34 = arith.muli %add3A_32, %mul3A_33 : i32
    %add3A_35 = arith.constant 0 : i32
    %add3A_36 = arith.addi %mul3A_34, %add3A_35 : i32
    %dma_wait3A = arith.constant 1 : i32
    %dma_wait3A_37 = arith.constant 0 : i32
    %dma_wait3A_38 = arith.constant 0 : i32
    %dma_wait3A_39 = tpu.memref_slice %arg9[%dma_wait3A, %dma_wait3A_37, %dma_wait3A_38] : memref<2x400x64xf32, #tpu.memory_space<vmem>> -> memref<1x50x64xf32, #tpu.memory_space<vmem>>
    %dma_wait3A_40 = tpu.memref_squeeze %dma_wait3A_39 : memref<1x50x64xf32, #tpu.memory_space<vmem>> -> memref<50x64xf32, #tpu.memory_space<vmem>>
    %dma_wait3A_41 = arith.constant 0 : i32
    %dma_wait3A_42 = arith.constant 0 : i32
    %dma_wait3A_43 = tpu.memref_slice %arg6[%add3A_36, %dma_wait3A_41, %dma_wait3A_42] : memref<4096x50x64xf32, #tpu.memory_space<hbm>> -> memref<1x50x64xf32, #tpu.memory_space<hbm>>
    %dma_wait3A_44 = tpu.memref_squeeze %dma_wait3A_43 : memref<1x50x64xf32, #tpu.memory_space<hbm>> -> memref<50x64xf32, #tpu.memory_space<hbm>>
    %dma_wait3A_45 = arith.constant 0 : i32
    %dma_wait3A_46 = arith.constant 0 : i32
    %dma_wait3A_47 = tpu.memref_slice %arg6[%add3A_36, %dma_wait3A_45, %dma_wait3A_46] : memref<4096x50x64xf32, #tpu.memory_space<hbm>> -> memref<1x50x64xf32, #tpu.memory_space<hbm>>
    %dma_wait3A_48 = tpu.memref_squeeze %dma_wait3A_47 : memref<1x50x64xf32, #tpu.memory_space<hbm>> -> memref<50x64xf32, #tpu.memory_space<hbm>>
    %dma_wait3A_49 = arith.constant 0 : i32
    %dma_wait3A_50 = arith.constant 0 : i32
    %dma_wait3A_51 = tpu.memref_slice %arg9[%dma_wait3A, %dma_wait3A_49, %dma_wait3A_50] : memref<2x400x64xf32, #tpu.memory_space<vmem>> -> memref<1x50x64xf32, #tpu.memory_space<vmem>>
    %dma_wait3A_52 = tpu.memref_squeeze %dma_wait3A_51 : memref<1x50x64xf32, #tpu.memory_space<vmem>> -> memref<50x64xf32, #tpu.memory_space<vmem>>
    tpu.wait_dma2 semaphore(%arg16 : memref<!tpu.dma_semaphore, #tpu.memory_space<semaphore_mem>>) src(%dma_wait3A_52 : memref<50x64xf32, #tpu.memory_space<vmem>>) dst(%dma_wait3A_48 : memref<50x64xf32, #tpu.memory_space<hbm>>)
    %add3A_53 = arith.constant 1 : i32
    %add3A_54 = arith.addi %mul3A_34, %add3A_53 : i32
    %dma_wait3A_55 = arith.constant 1 : i32
    %dma_wait3A_56 = arith.constant 50 : i32
    %dma_wait3A_57 = arith.constant 0 : i32
    %dma_wait3A_58 = tpu.memref_slice %arg9[%dma_wait3A_55, %dma_wait3A_56, %dma_wait3A_57] : memref<2x400x64xf32, #tpu.memory_space<vmem>> -> memref<1x50x64xf32, #tpu.memory_space<vmem>>
    %dma_wait3A_59 = tpu.memref_squeeze %dma_wait3A_58 : memref<1x50x64xf32, #tpu.memory_space<vmem>> -> memref<50x64xf32, #tpu.memory_space<vmem>>
    %dma_wait3A_60 = arith.constant 0 : i32
    %dma_wait3A_61 = arith.constant 0 : i32
    %dma_wait3A_62 = tpu.memref_slice %arg6[%add3A_54, %dma_wait3A_60, %dma_wait3A_61] : memref<4096x50x64xf32, #tpu.memory_space<hbm>> -> memref<1x50x64xf32, #tpu.memory_space<hbm>>
    %dma_wait3A_63 = tpu.memref_squeeze %dma_wait3A_62 : memref<1x50x64xf32, #tpu.memory_space<hbm>> -> memref<50x64xf32, #tpu.memory_space<hbm>>
    %dma_wait3A_64 = arith.constant 0 : i32
    %dma_wait3A_65 = arith.constant 0 : i32
    %dma_wait3A_66 = tpu.memref_slice %arg6[%add3A_54, %dma_wait3A_64, %dma_wait3A_65] : memref<4096x50x64xf32, #tpu.memory_space<hbm>> -> memref<1x50x64xf32, #tpu.memory_space<hbm>>
    %dma_wait3A_67 = tpu.memref_squeeze %dma_wait3A_66 : memref<1x50x64xf32, #tpu.memory_space<hbm>> -> memref<50x64xf32, #tpu.memory_space<hbm>>
    %dma_wait3A_68 = arith.constant 50 : i32
    %dma_wait3A_69 = arith.constant 0 : i32
    %dma_wait3A_70 = tpu.memref_slice %arg9[%dma_wait3A_55, %dma_wait3A_68, %dma_wait3A_69] : memref<2x400x64xf32, #tpu.memory_space<vmem>> -> memref<1x50x64xf32, #tpu.memory_space<vmem>>
    %dma_wait3A_71 = tpu.memref_squeeze %dma_wait3A_70 : memref<1x50x64xf32, #tpu.memory_space<vmem>> -> memref<50x64xf32, #tpu.memory_space<vmem>>
    tpu.wait_dma2 semaphore(%arg16 : memref<!tpu.dma_semaphore, #tpu.memory_space<semaphore_mem>>) src(%dma_wait3A_71 : memref<50x64xf32, #tpu.memory_space<vmem>>) dst(%dma_wait3A_67 : memref<50x64xf32, #tpu.memory_space<hbm>>)
    %add3A_72 = arith.constant 2 : i32
    %add3A_73 = arith.addi %mul3A_34, %add3A_72 : i32
    %dma_wait3A_74 = arith.constant 1 : i32
    %dma_wait3A_75 = arith.constant 100 : i32
    %dma_wait3A_76 = arith.constant 0 : i32
    %dma_wait3A_77 = tpu.memref_slice %arg9[%dma_wait3A_74, %dma_wait3A_75, %dma_wait3A_76] : memref<2x400x64xf32, #tpu.memory_space<vmem>> -> memref<1x50x64xf32, #tpu.memory_space<vmem>>
    %dma_wait3A_78 = tpu.memref_squeeze %dma_wait3A_77 : memref<1x50x64xf32, #tpu.memory_space<vmem>> -> memref<50x64xf32, #tpu.memory_space<vmem>>
    %dma_wait3A_79 = arith.constant 0 : i32
    %dma_wait3A_80 = arith.constant 0 : i32
    %dma_wait3A_81 = tpu.memref_slice %arg6[%add3A_73, %dma_wait3A_79, %dma_wait3A_80] : memref<4096x50x64xf32, #tpu.memory_space<hbm>> -> memref<1x50x64xf32, #tpu.memory_space<hbm>>
    %dma_wait3A_82 = tpu.memref_squeeze %dma_wait3A_81 : memref<1x50x64xf32, #tpu.memory_space<hbm>> -> memref<50x64xf32, #tpu.memory_space<hbm>>
    %dma_wait3A_83 = arith.constant 0 : i32
    %dma_wait3A_84 = arith.constant 0 : i32
    %dma_wait3A_85 = tpu.memref_slice %arg6[%add3A_73, %dma_wait3A_83, %dma_wait3A_84] : memref<4096x50x64xf32, #tpu.memory_space<hbm>> -> memref<1x50x64xf32, #tpu.memory_space<hbm>>
    %dma_wait3A_86 = tpu.memref_squeeze %dma_wait3A_85 : memref<1x50x64xf32, #tpu.memory_space<hbm>> -> memref<50x64xf32, #tpu.memory_space<hbm>>
    %dma_wait3A_87 = arith.constant 100 : i32
    %dma_wait3A_88 = arith.constant 0 : i32
    %dma_wait3A_89 = tpu.memref_slice %arg9[%dma_wait3A_74, %dma_wait3A_87, %dma_wait3A_88] : memref<2x400x64xf32, #tpu.memory_space<vmem>> -> memref<1x50x64xf32, #tpu.memory_space<vmem>>
    %dma_wait3A_90 = tpu.memref_squeeze %dma_wait3A_89 : memref<1x50x64xf32, #tpu.memory_space<vmem>> -> memref<50x64xf32, #tpu.memory_space<vmem>>
    tpu.wait_dma2 semaphore(%arg16 : memref<!tpu.dma_semaphore, #tpu.memory_space<semaphore_mem>>) src(%dma_wait3A_90 : memref<50x64xf32, #tpu.memory_space<vmem>>) dst(%dma_wait3A_86 : memref<50x64xf32, #tpu.memory_space<hbm>>)
    %add3A_91 = arith.constant 3 : i32
    %add3A_92 = arith.addi %mul3A_34, %add3A_91 : i32
    %dma_wait3A_93 = arith.constant 1 : i32
    %dma_wait3A_94 = arith.constant 150 : i32
    %dma_wait3A_95 = arith.constant 0 : i32
    %dma_wait3A_96 = tpu.memref_slice %arg9[%dma_wait3A_93, %dma_wait3A_94, %dma_wait3A_95] : memref<2x400x64xf32, #tpu.memory_space<vmem>> -> memref<1x50x64xf32, #tpu.memory_space<vmem>>
    %dma_wait3A_97 = tpu.memref_squeeze %dma_wait3A_96 : memref<1x50x64xf32, #tpu.memory_space<vmem>> -> memref<50x64xf32, #tpu.memory_space<vmem>>
    %dma_wait3A_98 = arith.constant 0 : i32
    %dma_wait3A_99 = arith.constant 0 : i32
    %dma_wait3A_100 = tpu.memref_slice %arg6[%add3A_92, %dma_wait3A_98, %dma_wait3A_99] : memref<4096x50x64xf32, #tpu.memory_space<hbm>> -> memref<1x50x64xf32, #tpu.memory_space<hbm>>
    %dma_wait3A_101 = tpu.memref_squeeze %dma_wait3A_100 : memref<1x50x64xf32, #tpu.memory_space<hbm>> -> memref<50x64xf32, #tpu.memory_space<hbm>>
    %dma_wait3A_102 = arith.constant 0 : i32
    %dma_wait3A_103 = arith.constant 0 : i32
    %dma_wait3A_104 = tpu.memref_slice %arg6[%add3A_92, %dma_wait3A_102, %dma_wait3A_103] : memref<4096x50x64xf32, #tpu.memory_space<hbm>> -> memref<1x50x64xf32, #tpu.memory_space<hbm>>
    %dma_wait3A_105 = tpu.memref_squeeze %dma_wait3A_104 : memref<1x50x64xf32, #tpu.memory_space<hbm>> -> memref<50x64xf32, #tpu.memory_space<hbm>>
    %dma_wait3A_106 = arith.constant 150 : i32
    %dma_wait3A_107 = arith.constant 0 : i32
    %dma_wait3A_108 = tpu.memref_slice %arg9[%dma_wait3A_93, %dma_wait3A_106, %dma_wait3A_107] : memref<2x400x64xf32, #tpu.memory_space<vmem>> -> memref<1x50x64xf32, #tpu.memory_space<vmem>>
    %dma_wait3A_109 = tpu.memref_squeeze %dma_wait3A_108 : memref<1x50x64xf32, #tpu.memory_space<vmem>> -> memref<50x64xf32, #tpu.memory_space<vmem>>
    tpu.wait_dma2 semaphore(%arg16 : memref<!tpu.dma_semaphore, #tpu.memory_space<semaphore_mem>>) src(%dma_wait3A_109 : memref<50x64xf32, #tpu.memory_space<vmem>>) dst(%dma_wait3A_105 : memref<50x64xf32, #tpu.memory_space<hbm>>)
    %add3A_110 = arith.constant 4 : i32
    %add3A_111 = arith.addi %mul3A_34, %add3A_110 : i32
    %dma_wait3A_112 = arith.constant 1 : i32
    %dma_wait3A_113 = arith.constant 200 : i32
    %dma_wait3A_114 = arith.constant 0 : i32
    %dma_wait3A_115 = tpu.memref_slice %arg9[%dma_wait3A_112, %dma_wait3A_113, %dma_wait3A_114] : memref<2x400x64xf32, #tpu.memory_space<vmem>> -> memref<1x50x64xf32, #tpu.memory_space<vmem>>
    %dma_wait3A_116 = tpu.memref_squeeze %dma_wait3A_115 : memref<1x50x64xf32, #tpu.memory_space<vmem>> -> memref<50x64xf32, #tpu.memory_space<vmem>>
    %dma_wait3A_117 = arith.constant 0 : i32
    %dma_wait3A_118 = arith.constant 0 : i32
    %dma_wait3A_119 = tpu.memref_slice %arg6[%add3A_111, %dma_wait3A_117, %dma_wait3A_118] : memref<4096x50x64xf32, #tpu.memory_space<hbm>> -> memref<1x50x64xf32, #tpu.memory_space<hbm>>
    %dma_wait3A_120 = tpu.memref_squeeze %dma_wait3A_119 : memref<1x50x64xf32, #tpu.memory_space<hbm>> -> memref<50x64xf32, #tpu.memory_space<hbm>>
    %dma_wait3A_121 = arith.constant 0 : i32
    %dma_wait3A_122 = arith.constant 0 : i32
    %dma_wait3A_123 = tpu.memref_slice %arg6[%add3A_111, %dma_wait3A_121, %dma_wait3A_122] : memref<4096x50x64xf32, #tpu.memory_space<hbm>> -> memref<1x50x64xf32, #tpu.memory_space<hbm>>
    %dma_wait3A_124 = tpu.memref_squeeze %dma_wait3A_123 : memref<1x50x64xf32, #tpu.memory_space<hbm>> -> memref<50x64xf32, #tpu.memory_space<hbm>>
    %dma_wait3A_125 = arith.constant 200 : i32
    %dma_wait3A_126 = arith.constant 0 : i32
    %dma_wait3A_127 = tpu.memref_slice %arg9[%dma_wait3A_112, %dma_wait3A_125, %dma_wait3A_126] : memref<2x400x64xf32, #tpu.memory_space<vmem>> -> memref<1x50x64xf32, #tpu.memory_space<vmem>>
    %dma_wait3A_128 = tpu.memref_squeeze %dma_wait3A_127 : memref<1x50x64xf32, #tpu.memory_space<vmem>> -> memref<50x64xf32, #tpu.memory_space<vmem>>
    tpu.wait_dma2 semaphore(%arg16 : memref<!tpu.dma_semaphore, #tpu.memory_space<semaphore_mem>>) src(%dma_wait3A_128 : memref<50x64xf32, #tpu.memory_space<vmem>>) dst(%dma_wait3A_124 : memref<50x64xf32, #tpu.memory_space<hbm>>)
    %add3A_129 = arith.constant 5 : i32
    %add3A_130 = arith.addi %mul3A_34, %add3A_129 : i32
    %dma_wait3A_131 = arith.constant 1 : i32
    %dma_wait3A_132 = arith.constant 250 : i32
    %dma_wait3A_133 = arith.constant 0 : i32
    %dma_wait3A_134 = tpu.memref_slice %arg9[%dma_wait3A_131, %dma_wait3A_132, %dma_wait3A_133] : memref<2x400x64xf32, #tpu.memory_space<vmem>> -> memref<1x50x64xf32, #tpu.memory_space<vmem>>
    %dma_wait3A_135 = tpu.memref_squeeze %dma_wait3A_134 : memref<1x50x64xf32, #tpu.memory_space<vmem>> -> memref<50x64xf32, #tpu.memory_space<vmem>>
    %dma_wait3A_136 = arith.constant 0 : i32
    %dma_wait3A_137 = arith.constant 0 : i32
    %dma_wait3A_138 = tpu.memref_slice %arg6[%add3A_130, %dma_wait3A_136, %dma_wait3A_137] : memref<4096x50x64xf32, #tpu.memory_space<hbm>> -> memref<1x50x64xf32, #tpu.memory_space<hbm>>
    %dma_wait3A_139 = tpu.memref_squeeze %dma_wait3A_138 : memref<1x50x64xf32, #tpu.memory_space<hbm>> -> memref<50x64xf32, #tpu.memory_space<hbm>>
    %dma_wait3A_140 = arith.constant 0 : i32
    %dma_wait3A_141 = arith.constant 0 : i32
    %dma_wait3A_142 = tpu.memref_slice %arg6[%add3A_130, %dma_wait3A_140, %dma_wait3A_141] : memref<4096x50x64xf32, #tpu.memory_space<hbm>> -> memref<1x50x64xf32, #tpu.memory_space<hbm>>
    %dma_wait3A_143 = tpu.memref_squeeze %dma_wait3A_142 : memref<1x50x64xf32, #tpu.memory_space<hbm>> -> memref<50x64xf32, #tpu.memory_space<hbm>>
    %dma_wait3A_144 = arith.constant 250 : i32
    %dma_wait3A_145 = arith.constant 0 : i32
    %dma_wait3A_146 = tpu.memref_slice %arg9[%dma_wait3A_131, %dma_wait3A_144, %dma_wait3A_145] : memref<2x400x64xf32, #tpu.memory_space<vmem>> -> memref<1x50x64xf32, #tpu.memory_space<vmem>>
    %dma_wait3A_147 = tpu.memref_squeeze %dma_wait3A_146 : memref<1x50x64xf32, #tpu.memory_space<vmem>> -> memref<50x64xf32, #tpu.memory_space<vmem>>
    tpu.wait_dma2 semaphore(%arg16 : memref<!tpu.dma_semaphore, #tpu.memory_space<semaphore_mem>>) src(%dma_wait3A_147 : memref<50x64xf32, #tpu.memory_space<vmem>>) dst(%dma_wait3A_143 : memref<50x64xf32, #tpu.memory_space<hbm>>)
    %add3A_148 = arith.constant 6 : i32
    %add3A_149 = arith.addi %mul3A_34, %add3A_148 : i32
    %dma_wait3A_150 = arith.constant 1 : i32
    %dma_wait3A_151 = arith.constant 300 : i32
    %dma_wait3A_152 = arith.constant 0 : i32
    %dma_wait3A_153 = tpu.memref_slice %arg9[%dma_wait3A_150, %dma_wait3A_151, %dma_wait3A_152] : memref<2x400x64xf32, #tpu.memory_space<vmem>> -> memref<1x50x64xf32, #tpu.memory_space<vmem>>
    %dma_wait3A_154 = tpu.memref_squeeze %dma_wait3A_153 : memref<1x50x64xf32, #tpu.memory_space<vmem>> -> memref<50x64xf32, #tpu.memory_space<vmem>>
    %dma_wait3A_155 = arith.constant 0 : i32
    %dma_wait3A_156 = arith.constant 0 : i32
    %dma_wait3A_157 = tpu.memref_slice %arg6[%add3A_149, %dma_wait3A_155, %dma_wait3A_156] : memref<4096x50x64xf32, #tpu.memory_space<hbm>> -> memref<1x50x64xf32, #tpu.memory_space<hbm>>
    %dma_wait3A_158 = tpu.memref_squeeze %dma_wait3A_157 : memref<1x50x64xf32, #tpu.memory_space<hbm>> -> memref<50x64xf32, #tpu.memory_space<hbm>>
    %dma_wait3A_159 = arith.constant 0 : i32
    %dma_wait3A_160 = arith.constant 0 : i32
    %dma_wait3A_161 = tpu.memref_slice %arg6[%add3A_149, %dma_wait3A_159, %dma_wait3A_160] : memref<4096x50x64xf32, #tpu.memory_space<hbm>> -> memref<1x50x64xf32, #tpu.memory_space<hbm>>
    %dma_wait3A_162 = tpu.memref_squeeze %dma_wait3A_161 : memref<1x50x64xf32, #tpu.memory_space<hbm>> -> memref<50x64xf32, #tpu.memory_space<hbm>>
    %dma_wait3A_163 = arith.constant 300 : i32
    %dma_wait3A_164 = arith.constant 0 : i32
    %dma_wait3A_165 = tpu.memref_slice %arg9[%dma_wait3A_150, %dma_wait3A_163, %dma_wait3A_164] : memref<2x400x64xf32, #tpu.memory_space<vmem>> -> memref<1x50x64xf32, #tpu.memory_space<vmem>>
    %dma_wait3A_166 = tpu.memref_squeeze %dma_wait3A_165 : memref<1x50x64xf32, #tpu.memory_space<vmem>> -> memref<50x64xf32, #tpu.memory_space<vmem>>
    tpu.wait_dma2 semaphore(%arg16 : memref<!tpu.dma_semaphore, #tpu.memory_space<semaphore_mem>>) src(%dma_wait3A_166 : memref<50x64xf32, #tpu.memory_space<vmem>>) dst(%dma_wait3A_162 : memref<50x64xf32, #tpu.memory_space<hbm>>)
    %add3A_167 = arith.constant 7 : i32
    %add3A_168 = arith.addi %mul3A_34, %add3A_167 : i32
    %dma_wait3A_169 = arith.constant 1 : i32
    %dma_wait3A_170 = arith.constant 350 : i32
    %dma_wait3A_171 = arith.constant 0 : i32
    %dma_wait3A_172 = tpu.memref_slice %arg9[%dma_wait3A_169, %dma_wait3A_170, %dma_wait3A_171] : memref<2x400x64xf32, #tpu.memory_space<vmem>> -> memref<1x50x64xf32, #tpu.memory_space<vmem>>
    %dma_wait3A_173 = tpu.memref_squeeze %dma_wait3A_172 : memref<1x50x64xf32, #tpu.memory_space<vmem>> -> memref<50x64xf32, #tpu.memory_space<vmem>>
    %dma_wait3A_174 = arith.constant 0 : i32
    %dma_wait3A_175 = arith.constant 0 : i32
    %dma_wait3A_176 = tpu.memref_slice %arg6[%add3A_168, %dma_wait3A_174, %dma_wait3A_175] : memref<4096x50x64xf32, #tpu.memory_space<hbm>> -> memref<1x50x64xf32, #tpu.memory_space<hbm>>
    %dma_wait3A_177 = tpu.memref_squeeze %dma_wait3A_176 : memref<1x50x64xf32, #tpu.memory_space<hbm>> -> memref<50x64xf32, #tpu.memory_space<hbm>>
    %dma_wait3A_178 = arith.constant 0 : i32
    %dma_wait3A_179 = arith.constant 0 : i32
    %dma_wait3A_180 = tpu.memref_slice %arg6[%add3A_168, %dma_wait3A_178, %dma_wait3A_179] : memref<4096x50x64xf32, #tpu.memory_space<hbm>> -> memref<1x50x64xf32, #tpu.memory_space<hbm>>
    %dma_wait3A_181 = tpu.memref_squeeze %dma_wait3A_180 : memref<1x50x64xf32, #tpu.memory_space<hbm>> -> memref<50x64xf32, #tpu.memory_space<hbm>>
    %dma_wait3A_182 = arith.constant 350 : i32
    %dma_wait3A_183 = arith.constant 0 : i32
    %dma_wait3A_184 = tpu.memref_slice %arg9[%dma_wait3A_169, %dma_wait3A_182, %dma_wait3A_183] : memref<2x400x64xf32, #tpu.memory_space<vmem>> -> memref<1x50x64xf32, #tpu.memory_space<vmem>>
    %dma_wait3A_185 = tpu.memref_squeeze %dma_wait3A_184 : memref<1x50x64xf32, #tpu.memory_space<vmem>> -> memref<50x64xf32, #tpu.memory_space<vmem>>
    tpu.wait_dma2 semaphore(%arg16 : memref<!tpu.dma_semaphore, #tpu.memory_space<semaphore_mem>>) src(%dma_wait3A_185 : memref<50x64xf32, #tpu.memory_space<vmem>>) dst(%dma_wait3A_181 : memref<50x64xf32, #tpu.memory_space<hbm>>)
    return
  }
}

</mosaic_0001>

<sc_bundles>
// kernel: _run.3.cloned.1.call-start
scs
__scs_entry_jumppad:
0x0: {  	(pc) =	sbr.rel $0x88, $3  }
0x1: {  	(tag) =	ssettag $0x0;
	lr =	simm.s32 $0x1  }
0x2: {  	[smem:$0x3F9D] =	sst lr;
	_ =	strace $0xD0000000  }
0x3: {  	_ = 	snop  }
0x4: {  	_ = 	snop  }
0x5: {  	_ = 	snop  }
0x6: {  	_ = 	snop  }
0x7: {  	_ = 	snop  }
__scs_overlays_trampoline_lowered:
0x8: {  	[smem:$0x3FAC] =	sst s0  }
0x9: {  	[smem:$0x3FAD] =	sst s1  }
0xa: {  	[smem:$0x3FAE] =	sst s2  }
0xb: {  	[smem:$0x3FAF] =	sst s3  }
0xc: {  	[smem:$0x3FB0] =	sst s4  }
0xd: {  	[smem:$0x3FB1] =	sst s5  }
0xe: {  	[smem:$0x3FB2] =	sst s6  }
0xf: {  	[smem:$0x3FB3] =	sst s7  }
0x10: {  	[smem:$0x3FB4] =	sst s8  }
0x11: {  	[smem:$0x3FB5] =	sst s9;
	s0 =	simm.s32 @!p0 $0x0  }
0x12: {  	s1 =	sld [smem:$0x3F9B];
	s0 =	simm.s32 @p0 $0x1  }
0x13: {  	[smem:$0x3FB6] =	sst s0;
	s0 =	simm.s32 @!p1 $0x0  }
0x14: {  	s2 =	sld [smem:$0x3F9A];
	s0 =	simm.s32 @p1 $0x1  }
0x15: {  	[smem:$0x3FB7] =	sst s0;
	s0 =	simm.s32 @!p2 $0x0  }
0x16: {  	s3 =	sld [smem:$0x3FDB];
	s0 =	simm.s32 @p2 $0x1  }
0x17: {  	s4 =	simm.s32 $0x1BF5;
	[smem:$0x3FB9] =	sst s0  }
0x18: {  	s0 =	sld [smem:$0x3F9C];
	_ =	swait.ge [sflag:s4], $0x0  }
0x19: {  	s7 =	sld [smem:$0x3F9D]  }
0x1a: {  	s8 =	sadd.s32 $0xFFFFE003, lr  }
0x1b: {  	s9 =	sadd.s32 $0xFFFFFEF7, lr;
	s5 =	simm.s32 $0xFFFFFFFF;
	p2 =	slt.u32 s8, $0xFFFFF086  }
0x1c: {  	p1 =	slt.u32 s9, $0xF7A;
	s5 =	simm.s32 @!p2 $0x0  }
0x1d: {  	s5 =	simm.s32 @p1 $0x1;
	p0 =	seq.s32 s7, s2  }
0x1e: {  	s7 =	smul.u32 @!p0 $0xF7A, s2;
	p2 =	seq.s32 @!p0 s5, $0x0  }
0x1f: {  	s9 =	smul.u32 $0xF7A, s1;
	s8 =	simm.s32 @!p0 $0x1BF5;
	p2 =	por !p2, p0  }
0x20: {  	[sflag:s8] =	ssyncset.s32 @!p0 $0xFFFFF086;
	s6 =	sadd.s32 @!p0 s3, s7;
	s7 =	simm.s32 @!p0 $0x108  }
0x21: {  	s3 =	sadd.s32 s3, s9;
	s6 =	sadd.s32 @!p0 $0x88, s6;
	s7 =	simm.s32 @p2 $0x1082  }
0x22: {  	[simem:s7], [sflag:s8] =	dma.local @!p0 [hbm:s6], $0xF7A  }
0x23: {  	s9 =	sor.u32 $0xD0000000, s2;
	s6 =	simm.s32 $0x108;
	_ =	swait.ge @!p0 [sflag:s8], $0x0  }
0x24: {  	s3 =	sadd.s32 $0x88, s3;
	s6 =	simm.s32 @!p1 $0x1082;
	[sflag:s4] =	ssyncset.s32 $0xFFFFF086  }
0x25: {  	[simem:s6], [sflag:s4] =	dma.local [hbm:s3], $0xF7A  }
0x26: {  	[smem:$0x3F9D] =	sst s1;
	(tag) =	ssettag s2;
	_ =	strace s9  }
0x27: {  	s1 =	sld [smem:$0x3FAD]  }
0x28: {  	s2 =	sld [smem:$0x3FAE]  }
0x29: {  	s4 =	sld [smem:$0x3FB0]  }
0x2a: {  	p0 =	seq.s32 s5, $0x0;
	s5 =	sld [smem:$0x3FB1]  }
0x2b: {  	s6 =	sld [smem:$0x3FB2]  }
0x2c: {  	s7 =	sld [smem:$0x3FB3]  }
0x2d: {  	s3 =	simm.s32 $0x108;
	s8 =	sld [smem:$0x3FB4]  }
0x2e: {  	s3 =	simm.s32 @!p0 $0x1082;
	s9 =	sld [smem:$0x3FB5]  }
0x2f: {  	lr =	sadd.s32 s0, s3;
	s0 =	sld [smem:$0x3FAC]  }
0x30: {  	s3 =	sld [smem:$0x3FAF]  }
0x31: {  	[smem:$0x3FB8] =	sst s10  }
0x32: {  	s10 =	sld [smem:$0x3FB6];
	_ =	sdelay $0x3  }
0x33: {  	p0 =	seq.s32 s10, $0x1;
	s10 =	sld [smem:$0x3FB8];
	_ =	sdelay $0x3  }
0x34: {  	[smem:$0x3FB8] =	sst s10  }
0x35: {  	s10 =	sld [smem:$0x3FB7];
	_ =	sdelay $0x3  }
0x36: {  	p1 =	seq.s32 s10, $0x1;
	s10 =	sld [smem:$0x3FB8];
	_ =	sdelay $0x3  }
0x37: {  	[smem:$0x3FB8] =	sst s10  }
0x38: {  	s10 =	sld [smem:$0x3FB9]  }
0x39: {  	_ = 	snop;
	(pc) =	sbr.ind lr, $3  }
0x3a: {  	_ = 	snop  }
0x3b: {  	_ = 	snop  }
0x3c: {  	p2 =	seq.s32 s10, $0x1;
	s10 =	sld [smem:$0x3FB8]  }
0x3d: {  	_ =	shalt  }
0x3e: {  	_ =	shalt  }
0x3f: {  	_ =	shalt  }
0x40: {  	_ =	shalt  }
0x41: {  	_ =	shalt  }
0x42: {  	_ =	shalt  }
0x43: {  	_ =	shalt  }
0x44: {  	_ =	shalt  }
0x45: {  	_ =	shalt  }
0x46: {  	_ =	shalt  }
0x47: {  	_ =	shalt  }
0x48: {  	_ =	shalt  }
0x49: {  	_ =	shalt  }
0x4a: {  	_ =	shalt  }
0x4b: {  	_ =	shalt  }
0x4c: {  	_ =	shalt  }
0x4d: {  	_ =	shalt  }
0x4e: {  	_ =	shalt  }
0x4f: {  	_ =	shalt  }
0x50: {  	_ =	shalt  }
0x51: {  	_ =	shalt  }
0x52: {  	_ =	shalt  }
0x53: {  	_ =	shalt  }
0x54: {  	_ =	shalt  }
0x55: {  	_ =	shalt  }
0x56: {  	_ =	shalt  }
0x57: {  	_ =	shalt  }
0x58: {  	_ =	shalt  }
0x59: {  	_ =	shalt  }
0x5a: {  	_ =	shalt  }
0x5b: {  	_ =	shalt  }
0x5c: {  	_ =	shalt  }
0x5d: {  	_ =	shalt  }
0x5e: {  	_ =	shalt  }
0x5f: {  	_ =	shalt  }
0x60: {  	_ =	shalt  }
0x61: {  	_ =	shalt  }
0x62: {  	_ =	shalt  }
0x63: {  	_ =	shalt  }
0x64: {  	_ =	shalt  }
0x65: {  	_ =	shalt  }
0x66: {  	_ =	shalt  }
0x67: {  	_ =	shalt  }
0x68: {  	_ =	shalt  }
0x69: {  	_ =	shalt  }
0x6a: {  	_ =	shalt  }
0x6b: {  	_ =	shalt  }
0x6c: {  	_ =	shalt  }
0x6d: {  	_ =	shalt  }
0x6e: {  	_ =	shalt  }
0x6f: {  	_ =	shalt  }
0x70: {  	_ =	shalt  }
0x71: {  	_ =	shalt  }
0x72: {  	_ =	shalt  }
0x73: {  	_ =	shalt  }
0x74: {  	_ =	shalt  }
0x75: {  	_ =	shalt  }
0x76: {  	_ =	shalt  }
0x77: {  	_ =	shalt  }
0x78: {  	_ =	shalt  }
0x79: {  	_ =	shalt  }
0x7a: {  	_ =	shalt  }
0x7b: {  	_ =	shalt  }
0x7c: {  	_ =	shalt  }
0x7d: {  	_ =	shalt  }
0x7e: {  	_ =	shalt  }
0x7f: {  	_ =	shalt  }
0x80: {  	_ =	shalt  }
0x81: {  	_ =	shalt  }
0x82: {  	_ =	shalt  }
0x83: {  	_ =	shalt  }
0x84: {  	_ =	shalt  }
0x85: {  	_ =	shalt  }
0x86: {  	_ =	shalt  }
0x87: {  	_ =	shalt  }
.Lfunc_end0:
.L_simem_size_0:
called_computation.1_lowered:
.L_overlay_start_0:
0x88: {  	s2 =	sld [smem:$0x3FD9]  }
0x89: {  	s3 =	sld [smem:$0x3FFE];
	_ =	sdelay $0x1  }
0x8a: {  	s1 =	srdreg.scid  }
0x8b: {  	s0 =	sand.u32 $0x1, s1  }
0x8c: {  	s17 =	sshll.u32 s0, $0xA;
	s2 =	sadd.s32 s3, s2  }
0x8d: {  	s2 =	sadd.s32 s2, s17  }
0x8e: {  	[smem:$0x3FC4] =	sst s2  }
0x8f: {  	_ = 	snop  }
0x90: {  	s2 =	sld [smem:$0x3FD0];
	(tm) =	ssettm $0x1  }
0x91: {  	s18 =	sld [smem:$0x3FFB];
	_ =	sdelay $0x3  }
0x92: {  	_ =	strace s18  }
0x93: {  	s3 =	sld [smem:$0x3FFC];
	_ =	sdelay $0x3  }
0x94: {  	_ =	strace s3  }
0x95: {  	s3 =	sld [smem:$0x3FFD];
	_ =	sdelay $0x3  }
0x96: {  	_ =	strace s3  }
0x97: {  	_ =	strace $0x8FFFFFFF  }
0x98: {  	s19 =	sld [smem:$0x3FDB];
	_ =	sdelay $0x1  }
0x99: {  	s4 =	simm.s32 $_scs_section_size  }
0x9a: {  	s5 =	simm.s32 $_size__tile_overlayer_lowered;
	s6 =	simm.s32 $_tile_overlayer_lowered  }
0x9b: {  	s22 =	simm.s32 $0x1BFF;
	s21 =	sshll.u32 s6, $0x1;
	s3 =	sadd.s32 s4, s19  }
0x9c: {  	s7 =	simm.s32 $0x0;
	s20 =	sshll.u32 s5, $0x1;
	s5 =	sadd.s32 s21, s3  }
0x9d: {  	[timem:s7], [sflag:s22] =	dma.local [hbm:s5], s20  }
0x9e: {  	_ =	swait.ge [sflag:s22], s20  }
0x9f: {  	s4 =	ssub.s32 $0x0, s20;
	[sflag:s22] =	ssyncset.done $0x0  }
0xa0: {  	[sflag:s22] =	ssyncadd.s32 s4;
	_ =	sdelay $0x1  }
0xa1: {  	s23 =	simm.s32 $0x1B8B  }
0xa2: {  	_ =	swait.ge [sflag:s23], $0x1  }
0xa3: {  	[sflag:s23] =	ssyncset.done $0x0  }
0xa4: {  	s25 =	simm.s32 $0x1B8E;
	s24 =	sld [smem:$0x3FFE];
	[sflag:s23] =	ssyncadd.s32 $0xFFFFFFFF  }
0xa5: {  	s26 =	simm.s32 $execute0_lowered;
	[smem:$0x3FD2] =	sst s25  }
0xa6: {  	s5 =	sshll.u32 s26, $0x1;
	_ =	strace $0x80000046;
	[dreg:$0x1] =	wrdreg $0xFFFFFFFF  }
0xa7: {  	s28 =	simm.s32 $_size_execute0_lowered;
	s3 =	sadd.s32 s3, s5;
	[dreg:$0x0] =	wrdreg $0x0  }
0xa8: {  	s5 =	sshll.u32 s28, $0x1;
	[dreg:$0x2] =	wrdreg s3  }
0xa9: {  	[dreg:$0x3] =	wrdreg s5  }
0xaa: {  	[dreg:$0x4] =	wrdreg $0xC0  }
0xab: {  	_ =	task [dreg:s7], $0x5FFFF  }
0xac: {  	[dreg:$0x1] =	wrdreg $0xFFFFFFFF  }
0xad: {  	[dreg:$0x0] =	wrdreg $0x60  }
0xae: {  	[dreg:$0x2] =	wrdreg s24  }
0xaf: {  	[dreg:$0x3] =	wrdreg s2  }
0xb0: {  	[dreg:$0x4] =	wrdreg $0x9  }
0xb1: {  	_ =	task.clear_ibuf [dreg:s7], $0x5FFFF;
	_ =	strace $0x90000046  }
0xb2: {  	s29 =	simm.s32 $0x9;
	_ =	strace $0x80000048  }
0xb3: {  	_ =	swait.ge [sflag:s29], $0x1  }
0xb4: {  	[sflag:s29] =	ssyncadd.s32 $0xFFFFFFFF  }
0xb5: {  	_ =	strace $0x90000048  }
0xb6: {  	_ =	sfence  }
0xb7: {  	s30 =	sld [smem:$0x0];
	_ =	sdelay $0x2  }
0xb8: {  	s31 =	sshll.u32 s1, $0xD;
	s1 =	sshrl.u32 s1, $0x2  }
0xb9: {  	s3 =	sand.u32 $0x4000, s31;
	s1 =	sadd.s32 s1, s30  }
0xba: {  	s0 =	sor.u32 s3, s0;
	s1 =	sshll.u32 s1, $0x11  }
0xbb: {  	s0 =	sor.u32 s1, s0  }
0xbc: {  	s0 =	sadd.s32 $0x8F2B, s0  }
0xbd: {  	[sflag:s0] =	ssyncadd.remote.s32 $0x1  }
0xbe: {  	_ =	sfence.sel $0xFFFF  }
0xbf: {  	[dreg:$0x0] =	wrdreg $0xFFFFFFFF;
	(pc) =	sbr.abs _section_cstart, $3  }
0xc0: {  	[dreg:$0x1] =	wrdreg $0xFFFFFFFF  }
0xc1: {  	_ =	task.clear_ibuf [dreg:s7], $0x2FFFF;
	_ =	strace $0x9FFFFFFF  }
0xc2: {  	(tm) =	ssettm $0x7FFFFFFF  }
0xc3: {  	_ =	shalt  }
tec
execute0_lowered:
.L_overlay_start_1:
0x0: {  	(tag) =	ssettag $0x1  }
0x1: {  	s0 =	srdreg.scid  }
0x2: {  	s2 =	stileid.u32;
	s1 =	rddreg [dreg:$0x0]  }
0x3: {  	s12 =	simm.s32 $0x190;
	s13 =	simm.s32 $0x3200;
	s15 =	simm.s32 $0x1  }
0x4: {  	s16 =	simm.s32 $0x3;
	s17 =	simm.s32 $0x9600;
	s21 =	simm.s32 $0x5780  }
0x5: {  	s22 =	simm.s32 $0x6400;
	s23 =	simm.s32 $0x7080;
	s28 =	simm.s32 $0x4  }
0x6: {  	s29 =	simm.s32 $0x5;
	s30 =	simm.s32 $0xA280;
	s31 =	simm.s32 $0xAF00  }
0x7: {  	s14 =	simm.s32 $0xD480;
	s11 =	simm.s32 $0xE100;
	s10 =	simm.s32 $0x0  }
0x8: {  	s0 =	sand.u32 $0x1, s0;
	s3 =	sshll.u32 s2, $0x1;
	s2 =	rddreg [dreg:$0x1]  }
0x9: {  	s5 =	sadd.s32 $0xD2200, s1;
	s6 =	sor.u32 s0, s3;
	s3 =	simm.s32 $0x0  }
0xa: {  	s0 =	ssub.s32 $0x2, s0;
	s4 =	smul.u32 $0x320, s6;
	[smem:$0x7FF] =	sst s3  }
0xb: {  	s24 =	sshrl.u32 s0, $0x1;
	s6 =	sshll.u32 s6, $0x4;
	_ =	strace $0x80000047  }
0xc: {  	s0 =	ssub.s32 s0, s24;
	s24 =	simm.s32 $0x7D00;
	s7 =	sadd.s32 s4, s1  }
0xd: {  	s4 =	sadd.s32 $0xEC00, s1;
	s0 =	smax.u32 s0, $0x1;
	s1 =	simm.s32 $0xBB80  }
0xe: {  	s25 =	sadd.s32 $0x2400, s7;
	s26 =	sadd.s32 $0x8800, s7;
	[dreg:$0x5] =	wrdreg s0  }
0xf: {  	s0 =	simm.s32 $0xC800;
	s7 =	simm.s32 $0xED80;
	[dreg:$0x3] =	wrdreg s25  }
0x10: {  	[dreg:$0x4] =	wrdreg s26;
	s25 =	simm.s32 $0x8980;
	s26 =	simm.s32 $0x2  }
.LBB2_1:
0x11: {  	[dreg:$0x6] =	wrdreg s10  }
0x12: {  	s8 =	rddreg [dreg:$0x3];
	s9 =	simm.s32 $0x7  }
0x13: {  	[tilespmem:s3], [sflag:$0x7] =	stream.linear.gather [hbm4b:s8+s3], $0x1900, $0x38;
	[tilespmem:$0x1C200] =	vst v63  }
0x14: {  	_ =	swait.ge [sflag:s9], $0x1900  }
0x15: {  	[sflag:s9] =	ssyncset.done $0x0  }
0x16: {  	s19 =	simm.s32 $0x1900;
	s18 =	rddreg [dreg:$0x4];
	[sflag:s9] =	ssyncadd.s32 $0xFFFFE700  }
0x17: {  	[tilespmem:s19], [sflag:$0x7] =	stream.linear.gather [hbm4b:s18+s3], $0x1900, $0x38;
	[tilespmem:$0x1C200] =	vst v63  }
0x18: {  	_ =	swait.ge [sflag:s9], $0x1900  }
0x19: {  	[sflag:s9] =	ssyncset.done $0x0  }
0x1a: {  	[sflag:s9] =	ssyncadd.s32 $0xFFFFE700  }
0x1b: {  	[tilespmem:s13], [sflag:$0x1] =	stream.indirect.gather [hbm4b:s4+s12], $0x40, s3, s12, $0xb8;
	[tilespmem:$0x1C200] =	vst v63  }
0x1c: {  	s20 =	simm.s32 $0xFA00;
	s10 =	simm.s32 $0x0  }
0x1d: {  	[tilespmem:s20], [sflag:$0x3] =	stream.indirect.gather [hbm4b:s5+s12], $0x40, s19, s12, $0xb8;
	[tilespmem:$0x1C200] =	vst v63  }
.LBB2_2:
0x1e: {  	_ =	swait.ge [sflag:s15], $0x6400  }
0x1f: {  	[sflag:s15] =	ssyncset.done $0x0  }
0x20: {  	[sflag:s15] =	ssyncadd.s32 $0xFFFF9C00  }
0x21: {  	_ =	swait.ge [sflag:s16], $0x6400  }
0x22: {  	p0 =	seq.s32 s10, $0x0;
	[sflag:s16] =	ssyncset.done $0x0  }
0x23: {  	s18 =	simm.s32 @!p0 $0x6;
	[sflag:s16] =	ssyncadd.s32 $0xFFFF9C00  }
0x24: {  	_ =	swait.ge @!p0 [sflag:s18], $0xC80  }
0x25: {  	[sflag:s18] =	ssyncset.done @!p0 $0x0  }
0x26: {  	[sflag:s18] =	ssyncadd.s32 @!p0 $0xFFFFF380  }
0x27: {  	_ =	swait.ge @!p0 [sflag:s18], $0xC80  }
0x28: {  	[sflag:s18] =	ssyncset.done @!p0 $0x0  }
0x29: {  	[sflag:s18] =	ssyncadd.s32 @!p0 $0xFFFFF380  }
0x2a: {  	_ =	swait.ge @!p0 [sflag:s18], $0xC80  }
0x2b: {  	[sflag:s18] =	ssyncset.done @!p0 $0x0  }
0x2c: {  	[sflag:s18] =	ssyncadd.s32 @!p0 $0xFFFFF380  }
0x2d: {  	_ =	swait.ge @!p0 [sflag:s18], $0xC80  }
0x2e: {  	[sflag:s18] =	ssyncset.done @!p0 $0x0  }
0x2f: {  	[sflag:s18] =	ssyncadd.s32 @!p0 $0xFFFFF380  }
0x30: {  	_ =	swait.ge @!p0 [sflag:s18], $0xC80  }
0x31: {  	[sflag:s18] =	ssyncset.done @!p0 $0x0  }
0x32: {  	[sflag:s18] =	ssyncadd.s32 @!p0 $0xFFFFF380  }
0x33: {  	_ =	swait.ge @!p0 [sflag:s18], $0xC80  }
0x34: {  	[sflag:s18] =	ssyncset.done @!p0 $0x0  }
0x35: {  	[sflag:s18] =	ssyncadd.s32 @!p0 $0xFFFFF380  }
0x36: {  	_ =	swait.ge @!p0 [sflag:s18], $0xC80  }
0x37: {  	[sflag:s18] =	ssyncset.done @!p0 $0x0  }
0x38: {  	s8 =	sshll.u32 s10, $0x1;
	[sflag:s18] =	ssyncadd.s32 @!p0 $0xFFFFF380  }
0x39: {  	s9 =	sor.u32 $0x1, s8;
	_ =	swait.ge @!p0 [sflag:s18], $0xC80  }
0x3a: {  	s19 =	smul.u32 $0x190, s9;
	[sflag:s18] =	ssyncset.done @!p0 $0x0  }
0x3b: {  	[sflag:s18] =	ssyncadd.s32 @!p0 $0xFFFFF380  }
0x3c: {  	[tilespmem:s17], [sflag:$0x2] =	stream.indirect.gather [hbm4b:s4+s12], $0x40, s19, s12, $0xb8;
	[tilespmem:$0x1C200] =	vst v63  }
0x3d: {  	s20 =	simm.s32 $0x15E00;
	s18 =	simm.s32 $0x0;
	s19 =	sadd.s32 $0x1900, s19  }
0x3e: {  	[tilespmem:s20], [sflag:$0x4] =	stream.indirect.gather [hbm4b:s5+s12], $0x40, s19, s12, $0xb8;
	[tilespmem:$0x1C200] =	vst v63  }
0x3f: {  	v2 =	vld [tilespmem:s18+$0xFA00]  }
0x40: {  	v3 =	vld [tilespmem:s18+$0xFA10]  }
0x41: {  	v1 =	vld [tilespmem:s18+$0xFA20]  }
0x42: {  	v0 =	vld [tilespmem:s18+$0xFA30]  }
0x43: {  	v5 =	vld [tilespmem:s18+$0x3200]  }
0x44: {  	v6 =	vld [tilespmem:s18+$0x3210]  }
0x45: {  	s19 =	simm.s32 $0x100;
	v4 =	vld [tilespmem:s18+$0x3220]  }
.LBB2_3:
0x46: {  	p0 =	sne.s32 s19, $0x18F00;
	v7 =	vld [tilespmem:s18+$0x3230];
	_ =	sdelay $0x1  }
0x47: {  	s20 =	sshra.s32 s19, $0x2;
	v5 =	vadd.f32 v2, v5  }
0x48: {  	v2 =	vld [tilespmem:s20+$0xFA00];
	v6 =	vadd.f32 v3, v6  }
0x49: {  	v3 =	vld [tilespmem:s20+$0xFA10];
	v5 =	vmul.f32 $5.000000000e-01, v5;
	v4 =	vadd.f32 v1, v4  }
.Ltmp0:
0x4a: {  	v1 =	vld [tilespmem:s20+$0xFA20];
	v6 =	vmul.f32 $5.000000000e-01, v6;
	v7 =	vadd.f32 v0, v7;
	(pc) =	sbr.rel @p0 .LBB2_3-.Ltmp0, $4  }
0x4b: {  	v0 =	vld [tilespmem:s20+$0xFA30];
	[tilespmem:s18+$0x3200] =	vst v5;
	v4 =	vmul.f32 $5.000000000e-01, v4  }
0x4c: {  	v5 =	vld [tilespmem:s20+$0x3200];
	[tilespmem:s18+$0x3210] =	vst v6;
	v7 =	vmul.f32 $5.000000000e-01, v7  }
0x4d: {  	v6 =	vld [tilespmem:s20+$0x3210];
	[tilespmem:s18+$0x3220] =	vst v4  }
0x4e: {  	s19 =	sadd.s32 $0x100, s19;
	v4 =	vld [tilespmem:s20+$0x3220];
	[tilespmem:s18+$0x3230] =	vst v7;
	s18 =	smov.u32 s20  }
0x4f: {  	v7 =	vld [tilespmem:s18+$0x3230];
	_ =	sdelay $0x1  }
0x50: {  	v2 =	vadd.f32 v2, v5  }
0x51: {  	v3 =	vadd.f32 v3, v6  }
0x52: {  	s8 =	sor.u32 s6, s8;
	v2 =	vmul.f32 $5.000000000e-01, v2;
	v1 =	vadd.f32 v1, v4  }
0x53: {  	s19 =	smul.u32 $0xC80, s8;
	v3 =	vmul.f32 $5.000000000e-01, v3;
	v0 =	vadd.f32 v0, v7  }
0x54: {  	s8 =	smul.u32 $0x6400, s8;
	[tilespmem:s18+$0x3200] =	vst v2;
	v1 =	vmul.f32 $5.000000000e-01, v1  }
0x55: {  	[tilespmem:s18+$0x3210] =	vst v3;
	v0 =	vmul.f32 $5.000000000e-01, v0  }
0x56: {  	s8 =	sshrl.u32 s8, $0x3;
	[tilespmem:s18+$0x3220] =	vst v1  }
0x57: {  	s20 =	sadd.s32 s2, s19;
	s8 =	sadd.s32 s2, s8;
	[tilespmem:s18+$0x3230] =	vst v0  }
0x58: {  	[hbm4b:s20+s3] =	stream.linear.scatter [tilespmem:s13], [sflag:$0x5], $0xC80, $0x38;
	[tilespmem:$0x1C200] =	vst v63  }
0x59: {  	s19 =	sadd.s32 $0x190, s8;
	s20 =	simm.s32 $0x3E80  }
0x5a: {  	[hbm4b:s19+s3] =	stream.linear.scatter [tilespmem:s20], [sflag:$0x5], $0xC80, $0x38;
	[tilespmem:$0x1C200] =	vst v63  }
0x5b: {  	s19 =	sadd.s32 $0x320, s8;
	s20 =	simm.s32 $0x4B00  }
0x5c: {  	[hbm4b:s19+s3] =	stream.linear.scatter [tilespmem:s20], [sflag:$0x5], $0xC80, $0x38;
	[tilespmem:$0x1C200] =	vst v63  }
0x5d: {  	s19 =	sadd.s32 $0x4B0, s8  }
0x5e: {  	[hbm4b:s19+s3] =	stream.linear.scatter [tilespmem:s21], [sflag:$0x5], $0xC80, $0x38;
	[tilespmem:$0x1C200] =	vst v63  }
0x5f: {  	s20 =	sadd.s32 $0x640, s8  }
0x60: {  	[hbm4b:s20+s3] =	stream.linear.scatter [tilespmem:s22], [sflag:$0x5], $0xC80, $0x38;
	[tilespmem:$0x1C200] =	vst v63  }
0x61: {  	s19 =	sadd.s32 $0x7D0, s8  }
0x62: {  	[hbm4b:s19+s3] =	stream.linear.scatter [tilespmem:s23], [sflag:$0x5], $0xC80, $0x38;
	[tilespmem:$0x1C200] =	vst v63  }
0x63: {  	s20 =	sadd.s32 $0x960, s8  }
0x64: {  	[hbm4b:s20+s3] =	stream.linear.scatter [tilespmem:s24], [sflag:$0x5], $0xC80, $0x38;
	[tilespmem:$0x1C200] =	vst v63  }
0x65: {  	s8 =	sadd.s32 $0xAF0, s8  }
0x66: {  	[hbm4b:s8+s3] =	stream.linear.scatter [tilespmem:s25], [sflag:$0x5], $0xC80, $0x38;
	[tilespmem:$0x1C200] =	vst v63  }
0x67: {  	_ =	swait.ge [sflag:s26], $0x6400  }
0x68: {  	[sflag:s26] =	ssyncset.done $0x0  }
0x69: {  	[sflag:s26] =	ssyncadd.s32 $0xFFFF9C00  }
0x6a: {  	_ =	swait.ge [sflag:s28], $0x6400  }
0x6b: {  	[sflag:s28] =	ssyncset.done $0x0  }
0x6c: {  	[sflag:s28] =	ssyncadd.s32 $0xFFFF9C00  }
0x6d: {  	_ =	swait.ge [sflag:s29], $0xC80  }
0x6e: {  	[sflag:s29] =	ssyncset.done $0x0  }
0x6f: {  	[sflag:s29] =	ssyncadd.s32 $0xFFFFF380  }
0x70: {  	_ =	swait.ge [sflag:s29], $0xC80  }
0x71: {  	[sflag:s29] =	ssyncset.done $0x0  }
0x72: {  	[sflag:s29] =	ssyncadd.s32 $0xFFFFF380  }
0x73: {  	_ =	swait.ge [sflag:s29], $0xC80  }
0x74: {  	[sflag:s29] =	ssyncset.done $0x0  }
0x75: {  	[sflag:s29] =	ssyncadd.s32 $0xFFFFF380  }
0x76: {  	_ =	swait.ge [sflag:s29], $0xC80  }
0x77: {  	[sflag:s29] =	ssyncset.done $0x0  }
0x78: {  	[sflag:s29] =	ssyncadd.s32 $0xFFFFF380  }
0x79: {  	_ =	swait.ge [sflag:s29], $0xC80  }
0x7a: {  	[sflag:s29] =	ssyncset.done $0x0  }
0x7b: {  	[sflag:s29] =	ssyncadd.s32 $0xFFFFF380  }
0x7c: {  	_ =	swait.ge [sflag:s29], $0xC80  }
0x7d: {  	[sflag:s29] =	ssyncset.done $0x0  }
0x7e: {  	[sflag:s29] =	ssyncadd.s32 $0xFFFFF380  }
0x7f: {  	_ =	swait.ge [sflag:s29], $0xC80  }
0x80: {  	[sflag:s29] =	ssyncset.done $0x0  }
0x81: {  	p0 =	seq.s32 s10, $0x7;
	[sflag:s29] =	ssyncadd.s32 $0xFFFFF380  }
0x82: {  	s8 =	smul.u32 @!p0 $0x320, s10;
	_ =	swait.ge [sflag:s29], $0xC80  }
0x83: {  	s19 =	simm.s32 @!p0 $0x190;
	[sflag:s29] =	ssyncset.done $0x0  }
0x84: {  	s20 =	simm.s32 @!p0 $0x3200;
	s18 =	sadd.s32 @!p0 $0x320, s8;
	[sflag:s29] =	ssyncadd.s32 $0xFFFFF380  }
0x85: {  	[tilespmem:s20], [sflag:$0x1] =	stream.indirect.gather @!p0 [hbm4b:s4+s19], $0x40, s18, s19, $0xb8;
	[tilespmem:$0x1C200] =	vst v63  }
0x86: {  	s8 =	sadd.s32 @!p0 $0x1C20, s8;
	s18 =	simm.s32 @!p0 $0xFA00  }
0x87: {  	[tilespmem:s18], [sflag:$0x3] =	stream.indirect.gather @!p0 [hbm4b:s5+s19], $0x40, s8, s19, $0xb8;
	[tilespmem:$0x1C200] =	vst v63  }
0x88: {  	s8 =	simm.s32 $0x0  }
0x89: {  	v2 =	vld [tilespmem:s8+$0x15E00]  }
0x8a: {  	v3 =	vld [tilespmem:s8+$0x15E10]  }
0x8b: {  	v1 =	vld [tilespmem:s8+$0x15E20]  }
0x8c: {  	v0 =	vld [tilespmem:s8+$0x15E30]  }
0x8d: {  	v5 =	vld [tilespmem:s8+$0x9600]  }
0x8e: {  	v6 =	vld [tilespmem:s8+$0x9610]  }
0x8f: {  	s18 =	simm.s32 $0x100;
	v4 =	vld [tilespmem:s8+$0x9620]  }
.LBB2_5:
0x90: {  	p0 =	sne.s32 s18, $0x18F00;
	v7 =	vld [tilespmem:s8+$0x9630];
	_ =	sdelay $0x1  }
0x91: {  	s19 =	sshra.s32 s18, $0x2;
	v5 =	vadd.f32 v2, v5  }
0x92: {  	v2 =	vld [tilespmem:s19+$0x15E00];
	v6 =	vadd.f32 v3, v6  }
0x93: {  	v3 =	vld [tilespmem:s19+$0x15E10];
	v5 =	vmul.f32 $5.000000000e-01, v5;
	v4 =	vadd.f32 v1, v4  }
.Ltmp1:
0x94: {  	v1 =	vld [tilespmem:s19+$0x15E20];
	v6 =	vmul.f32 $5.000000000e-01, v6;
	v7 =	vadd.f32 v0, v7;
	(pc) =	sbr.rel @p0 .LBB2_5-.Ltmp1, $4  }
0x95: {  	v0 =	vld [tilespmem:s19+$0x15E30];
	[tilespmem:s8+$0x9600] =	vst v5;
	v4 =	vmul.f32 $5.000000000e-01, v4  }
0x96: {  	v5 =	vld [tilespmem:s19+$0x9600];
	[tilespmem:s8+$0x9610] =	vst v6;
	v7 =	vmul.f32 $5.000000000e-01, v7  }
0x97: {  	v6 =	vld [tilespmem:s19+$0x9610];
	[tilespmem:s8+$0x9620] =	vst v4  }
0x98: {  	s18 =	sadd.s32 $0x100, s18;
	v4 =	vld [tilespmem:s19+$0x9620];
	[tilespmem:s8+$0x9630] =	vst v7;
	s8 =	smov.u32 s19  }
0x99: {  	v7 =	vld [tilespmem:s8+$0x9630];
	_ =	sdelay $0x1  }
0x9a: {  	v2 =	vadd.f32 v2, v5  }
0x9b: {  	v3 =	vadd.f32 v3, v6  }
0x9c: {  	s9 =	sor.u32 s6, s9;
	v2 =	vmul.f32 $5.000000000e-01, v2;
	v1 =	vadd.f32 v1, v4  }
0x9d: {  	s18 =	smul.u32 $0xC80, s9;
	v3 =	vmul.f32 $5.000000000e-01, v3;
	v0 =	vadd.f32 v0, v7  }
0x9e: {  	s9 =	smul.u32 $0x6400, s9;
	[tilespmem:s8+$0x9600] =	vst v2;
	v1 =	vmul.f32 $5.000000000e-01, v1  }
0x9f: {  	[tilespmem:s8+$0x9610] =	vst v3;
	v0 =	vmul.f32 $5.000000000e-01, v0  }
0xa0: {  	s9 =	sshrl.u32 s9, $0x3;
	[tilespmem:s8+$0x9620] =	vst v1  }
0xa1: {  	s20 =	sadd.s32 s2, s18;
	[tilespmem:s8+$0x9630] =	vst v0;
	s8 =	sadd.s32 s2, s9  }
0xa2: {  	[hbm4b:s20+s3] =	stream.linear.scatter [tilespmem:s17], [sflag:$0x6], $0xC80, $0x38;
	[tilespmem:$0x1C200] =	vst v63  }
0xa3: {  	s18 =	sadd.s32 $0x190, s8  }
0xa4: {  	[hbm4b:s18+s3] =	stream.linear.scatter [tilespmem:s30], [sflag:$0x6], $0xC80, $0x38;
	[tilespmem:$0x1C200] =	vst v63  }
0xa5: {  	s19 =	sadd.s32 $0x320, s8  }
0xa6: {  	[hbm4b:s19+s3] =	stream.linear.scatter [tilespmem:s31], [sflag:$0x6], $0xC80, $0x38;
	[tilespmem:$0x1C200] =	vst v63  }
0xa7: {  	s20 =	sadd.s32 $0x4B0, s8  }
0xa8: {  	[hbm4b:s20+s3] =	stream.linear.scatter [tilespmem:s1], [sflag:$0x6], $0xC80, $0x38;
	[tilespmem:$0x1C200] =	vst v63  }
0xa9: {  	s10 =	sadd.s32 $0x1, s10;
	s18 =	sadd.s32 $0x640, s8  }
0xaa: {  	[hbm4b:s18+s3] =	stream.linear.scatter [tilespmem:s0], [sflag:$0x6], $0xC80, $0x38;
	[tilespmem:$0x1C200] =	vst v63  }
0xab: {  	p0 =	sne.s32 s10, $0x8;
	s19 =	sadd.s32 $0x7D0, s8  }
0xac: {  	[hbm4b:s19+s3] =	stream.linear.scatter [tilespmem:s14], [sflag:$0x6], $0xC80, $0x38;
	[tilespmem:$0x1C200] =	vst v63  }
.Ltmp2:
0xad: {  	_ = 	snop;
	(pc) =	sbr.rel @p0 .LBB2_2-.Ltmp2, $4  }
0xae: {  	s20 =	sadd.s32 $0x960, s8  }
0xaf: {  	[hbm4b:s20+s3] =	stream.linear.scatter [tilespmem:s11], [sflag:$0x6], $0xC80, $0x38;
	[tilespmem:$0x1C200] =	vst v63  }
0xb0: {  	s8 =	sadd.s32 $0xAF0, s8  }
0xb1: {  	[hbm4b:s8+s3] =	stream.linear.scatter [tilespmem:s7], [sflag:$0x6], $0xC80, $0x38;
	[tilespmem:$0x1C200] =	vst v63  }
0xb2: {  	s9 =	simm.s32 $0x6  }
0xb3: {  	_ =	swait.ge [sflag:s9], $0xC80  }
0xb4: {  	[sflag:s9] =	ssyncset.done $0x0  }
0xb5: {  	[sflag:s9] =	ssyncadd.s32 $0xFFFFF380  }
0xb6: {  	_ =	swait.ge [sflag:s9], $0xC80  }
0xb7: {  	[sflag:s9] =	ssyncset.done $0x0  }
0xb8: {  	[sflag:s9] =	ssyncadd.s32 $0xFFFFF380  }
0xb9: {  	_ =	swait.ge [sflag:s9], $0xC80  }
0xba: {  	[sflag:s9] =	ssyncset.done $0x0  }
0xbb: {  	[sflag:s9] =	ssyncadd.s32 $0xFFFFF380  }
0xbc: {  	_ =	swait.ge [sflag:s9], $0xC80  }
0xbd: {  	[sflag:s9] =	ssyncset.done $0x0  }
0xbe: {  	[sflag:s9] =	ssyncadd.s32 $0xFFFFF380  }
0xbf: {  	_ =	swait.ge [sflag:s9], $0xC80  }
0xc0: {  	[sflag:s9] =	ssyncset.done $0x0  }
0xc1: {  	[sflag:s9] =	ssyncadd.s32 $0xFFFFF380  }
0xc2: {  	_ =	swait.ge [sflag:s9], $0xC80  }
0xc3: {  	[sflag:s9] =	ssyncset.done $0x0  }
0xc4: {  	[sflag:s9] =	ssyncadd.s32 $0xFFFFF380  }
0xc5: {  	_ =	swait.ge [sflag:s9], $0xC80  }
0xc6: {  	[sflag:s9] =	ssyncset.done $0x0  }
0xc7: {  	[sflag:s9] =	ssyncadd.s32 $0xFFFFF380  }
0xc8: {  	_ =	swait.ge [sflag:s9], $0xC80  }
0xc9: {  	s10 =	rddreg [dreg:$0x6]  }
0xca: {  	s8 =	rddreg [dreg:$0x5];
	s10 =	sadd.s32 $0x1, s10  }
0xcb: {  	p0 =	sne.s32 s10, s8  }
.Ltmp3:
0xcc: {  	_ = 	snop;
	(pc) =	sbr.rel @p0 .LBB2_1-.Ltmp3, $3  }
0xcd: {  	_ =	sdelay $0x1  }
0xce: {  	[sflag:s9] =	ssyncset.done $0x0  }
0xcf: {  	[sflag:s9] =	ssyncadd.s32 $0xFFFFF380  }
0xd0: {  	_ =	sfence.sel $0x180000  }
0xd1: {  	[bflag:$0x0] =	sbarrier.arrive $0xFFFF  }
0xd2: {  	_ =	strace $0x90000047  }
0xd3: {  	s0 =	stileid.u32;
	[bflag:$0x2] =	sbarrier.arrive $0xFFFF  }
0xd4: {  	p0 =	sne.s32 s0, $0x0;
	s0 =	rddreg [dreg:$0x2]  }
0xd5: {  	s0 =	sadd.s32 @!p0 $0x100000, s0  }
0xd6: {  	[sflag:s0] =	ssyncadd.tile.s32 @!p0 $0x1;
	_ =	shalt  }
.Lfunc_end2:
_tile_overlayer_lowered:
.L_overlay_start_2:
0xd7: {  	(tag) =	ssettag $0x2  }
0xd8: {  	s0 =	rddreg [dreg:$0x0];
	s2 =	stileid.u32  }
0xd9: {  	s1 =	rddreg [dreg:$0x1];
	p0 =	sne.s32 s2, $0x0  }
0xda: {  	s3 =	rddreg [dreg:$0x2];
	[bflag:$0x3] =	sbarrier.arrive $0xFFFF;
	s2 =	simm.s32 @!p0 $0x1C07  }
0xdb: {  	[timem:s3], [sflag:s2] =	dma.local @!p0 [hbm:s0], s1  }
0xdc: {  	s0 =	simm.s32 @!p0 $0x7  }
0xdd: {  	_ =	swait.ge @!p0 [sflag:s0], s1  }
0xde: {  	s1 =	ssub.s32 @!p0 $0x0, s1;
	[sflag:s0] =	ssyncset.done @!p0 $0x0  }
0xdf: {  	[sflag:s0] =	ssyncadd.s32 @!p0 s1  }
0xe0: {  	[bflag:$0x3] =	sbarrier.arrive $0xFFFF  }
0xe1: {  	_ =	shalt  }

// kernel: sparse-core-data-format-call.cloned.1.call-start
scs
called_computation_lowered:
.L_overlay_start_0:
0x0: {  	s2 =	sld [smem:$0x3FD9]  }
0x1: {  	s3 =	sld [smem:$0x3FFE];
	_ =	sdelay $0x1  }
0x2: {  	s1 =	srdreg.scid  }
0x3: {  	s0 =	sand.u32 $0x1, s1  }
0x4: {  	s18 =	sshll.u32 s0, $0xA;
	s2 =	sadd.s32 s3, s2  }
0x5: {  	s2 =	sadd.s32 s2, s18  }
0x6: {  	[smem:$0x3FC4] =	sst s2  }
0x7: {  	_ = 	snop  }
0x8: {  	s2 =	sld [smem:$0x3FD0];
	(tm) =	ssettm $0x1  }
0x9: {  	s19 =	sld [smem:$0x3FFB];
	_ =	sdelay $0x3  }
0xa: {  	_ =	strace s19  }
0xb: {  	s3 =	sld [smem:$0x3FFC];
	_ =	sdelay $0x3  }
0xc: {  	_ =	strace s3  }
0xd: {  	s3 =	sld [smem:$0x3FFD];
	_ =	sdelay $0x3  }
0xe: {  	_ =	strace s3  }
0xf: {  	_ =	strace $0x8FFFFFFF  }
0x10: {  	s20 =	sld [smem:$0x3FDB];
	_ =	sdelay $0x1  }
0x11: {  	s4 =	simm.s32 $_scs_section_size  }
0x12: {  	s5 =	simm.s32 $_size__tile_overlayer_lowered;
	s6 =	simm.s32 $_tile_overlayer_lowered  }
0x13: {  	s23 =	simm.s32 $0x1BFF;
	s22 =	sshll.u32 s6, $0x1;
	s3 =	sadd.s32 s4, s20  }
0x14: {  	s7 =	simm.s32 $0x0;
	s21 =	sshll.u32 s5, $0x1;
	s5 =	sadd.s32 s22, s3  }
0x15: {  	[timem:s7], [sflag:s23] =	dma.local [hbm:s5], s21  }
0x16: {  	_ =	swait.ge [sflag:s23], s21  }
0x17: {  	s4 =	ssub.s32 $0x0, s21;
	[sflag:s23] =	ssyncset.done $0x0  }
0x18: {  	[sflag:s23] =	ssyncadd.s32 s4;
	_ =	sdelay $0x1  }
0x19: {  	s24 =	simm.s32 $0x1B8B  }
0x1a: {  	_ =	swait.ge [sflag:s24], $0x1  }
0x1b: {  	[sflag:s24] =	ssyncset.done $0x0  }
0x1c: {  	s26 =	simm.s32 $0x1B8E;
	s25 =	sld [smem:$0x3FFE];
	[sflag:s24] =	ssyncadd.s32 $0xFFFFFFFF  }
0x1d: {  	s27 =	simm.s32 $execute0_lowered;
	[smem:$0x3FD2] =	sst s26  }
0x1e: {  	s5 =	sshll.u32 s27, $0x1;
	_ =	strace $0x80000049;
	[dreg:$0x1] =	wrdreg $0xFFFFFFFF  }
0x1f: {  	s28 =	simm.s32 $_size_execute0_lowered;
	s3 =	sadd.s32 s3, s5;
	[dreg:$0x0] =	wrdreg $0x0  }
0x20: {  	s5 =	sshll.u32 s28, $0x1;
	[dreg:$0x2] =	wrdreg s3  }
0x21: {  	[dreg:$0x3] =	wrdreg s5  }
0x22: {  	[dreg:$0x4] =	wrdreg $0xC0  }
0x23: {  	_ =	task [dreg:s7], $0x5FFFF  }
0x24: {  	[dreg:$0x1] =	wrdreg $0xFFFFFFFF  }
0x25: {  	[dreg:$0x0] =	wrdreg $0x60  }
0x26: {  	[dreg:$0x2] =	wrdreg s25  }
0x27: {  	[dreg:$0x3] =	wrdreg s2  }
0x28: {  	[dreg:$0x4] =	wrdreg $0x9  }
0x29: {  	_ =	task.clear_ibuf [dreg:s7], $0x5FFFF;
	_ =	strace $0x90000049  }
0x2a: {  	s29 =	simm.s32 $0x9;
	_ =	strace $0x8000004B  }
0x2b: {  	_ =	swait.ge [sflag:s29], $0x1  }
0x2c: {  	[sflag:s29] =	ssyncadd.s32 $0xFFFFFFFF  }
0x2d: {  	_ =	strace $0x9000004B  }
0x2e: {  	_ =	sfence  }
0x2f: {  	s30 =	sld [smem:$0x0];
	_ =	sdelay $0x2  }
0x30: {  	s31 =	sshll.u32 s1, $0xD;
	s1 =	sshrl.u32 s1, $0x2  }
0x31: {  	s3 =	sand.u32 $0x4000, s31;
	s1 =	sadd.s32 s1, s30  }
0x32: {  	s0 =	sor.u32 s3, s0;
	s1 =	sshll.u32 s1, $0x11  }
0x33: {  	s0 =	sor.u32 s1, s0  }
0x34: {  	s0 =	sadd.s32 $0x8F2B, s0  }
0x35: {  	[sflag:s0] =	ssyncadd.remote.s32 $0x1  }
0x36: {  	_ =	sfence.sel $0xFFFF  }
0x37: {  	[dreg:$0x0] =	wrdreg $0xFFFFFFFF;
	(pc) =	sbr.abs _section_cstart, $3  }
0x38: {  	[dreg:$0x1] =	wrdreg $0xFFFFFFFF  }
0x39: {  	_ =	task.clear_ibuf [dreg:s7], $0x2FFFF;
	_ =	strace $0x9FFFFFFF  }
0x3a: {  	(tm) =	ssettm $0x7FFFFFFF  }
0x3b: {  	_ =	shalt  }
tec
execute0_lowered:
.L_overlay_start_1:
0x0: {  	(tag) =	ssettag $0x1  }
0x1: {  	s0 =	srdreg.scid  }
0x2: {  	s1 =	sshll.u32 s0, $0x4  }
0x3: {  	s0 =	stileid.u32;
	s1 =	sand.u32 $0x10, s1  }
0x4: {  	s1 =	sor.u32 s0, s1  }
0x5: {  	s6 =	rddreg [dreg:$0x0];
	s4 =	simm.s32 $0x1;
	s2 =	sshll.u32 s1, $0x7  }
0x6: {  	s7 =	simm.s32 $0x2;
	s12 =	simm.s32 $0x0;
	s1 =	ssub.s32 $0x1000, s2  }
0x7: {  	s8 =	simm.s32 $0x8000;
	s13 =	simm.s32 $0x0;
	s3 =	sand.u32 $0xF80, s1  }
0x8: {  	s9 =	simm.s32 $0x0;
	s5 =	sshrl.u32 s1, $0xC;
	p0 =	sne.s32 s3, $0x0  }
.Ltmp0:
0x9: {  	s1 =	rddreg [dreg:$0x2];
	s4 =	simm.s32 @!p0 $0x0;
	(pc) =	sbr.rel .LBB1_1-.Ltmp0, $4  }
0xa: {  	s11 =	simm.s32 $0x0;
	s3 =	rddreg [dreg:$0x1];
	s5 =	sadd.s32 s4, s5  }
0xb: {  	_ =	strace $0x8000004A;
	s4 =	simm.s32 $0x1;
	s5 =	smul.u32 $0x32, s5  }
0xc: {  	s6 =	sadd.s32 $0x2400, s6;
	s10 =	smov.u32 s2;
	[sflag:s4] =	ssyncpa.u1 $0x0  }
0xd: {  	p0 =	por $0x0, $0x0;
	[sflag:s7] =	ssyncpa.u1 $0x0;
	s7 =	sor.u32 $0x1, s5  }
.LBB1_4:
0xe: {  	s16 =	sshll.u32 s13, $0x3;
	s17 =	sand.u32 $0x78, s13  }
0xf: {  	s30 =	sand.u32 $0x7E00, s13;
	s12 =	sshll.u32 s12, $0xF;
	s16 =	sand.u32 $0xC00, s16  }
0x10: {  	[tilespmem:s15+$0x810 ss:$0x81] =	vst.msk $0xffff, v2;
	s31 =	sand.u32 $0x7, s13;
	s16 =	sor.u32 s17, s16;
	s17 =	sadd.s32 s3, s30  }
0x11: {  	[tilespmem:s15+$0x1020 ss:$0x81] =	vst.msk $0xffff, v0;
	s13 =	sshll.u32 s31, $0x12;
	s12 =	sadd.s32 s12, s17;
	s16 =	sshrl.u32 s16, $0x3  }
0x12: {  	[tilespmem:s15+$0x0 ss:$0x81] =	vst.msk $0xffff, v1;
	s13 =	sor.u32 $0x400, s13;
	s12 =	sadd.s32 s16, s12  }
0x13: {  	[hbm4b:s12+s13] =	stream.strided.scatter [tilespmem:s14], [sflag:$0x2], $0x2000, s8, s13, $0x20;
	[tilespmem:$0x8080] =	vst v63  }
.LBB1_5:
0x14: {  	s14 =	sadd.s32 $0x1, s9  }
0x15: {  	s12 =	sadd.s32 $0x1000, s10;
	s16 =	smov.u32 s10;
	p2 =	sgt.s32 s14, $0x31  }
0x16: {  	s16 =	smov.u32 @p2 s12  }
0x17: {  	s14 =	simm.s32 @p2 $0x0;
	p2 =	sgt.s32 s16, $0xFFF  }
0x18: {  	s16 =	smov.u32 @p2 s2;
	p2 =	sne.s32 s11, s7  }
.Ltmp1:
0x19: {  	p1 =	slt.u32 s11, $0x2;
	(pc) =	sbr.rel @!p2 .LBB1_6-.Ltmp1, $4  }
0x1a: {  	s15 =	simm.s32 @!p1 $0x2  }
0x1b: {  	s13 =	smov.u32 s10;
	p0 =	por !p0, !p0;
	_ =	swait.ge @!p1 [sflag:s15], $0x2000  }
0x1c: {  	s12 =	smov.u32 s9;
	[sflag:s15] =	ssyncset.done @!p1 $0x0;
	s9 =	smov.u32 s14  }
0x1d: {  	s11 =	sadd.s32 $0x1, s11;
	[sflag:s15] =	ssyncadd.s32 @!p1 $0xFFFFE000;
	s10 =	smov.u32 s16  }
.LBB1_1:
0x1e: {  	p1 =	sge.u32 s11, s5  }
0x1f: {  	s14 =	sand.u32 @!p1 $0x1FFFFFF, s9  }
0x20: {  	s15 =	smulhi.u32 @!p1 $0x4924925, s14;
	_ =	sdelay $0x1  }
0x21: {  	s15 =	smul.u32 @!p1 $0x38, s15  }
0x22: {  	s16 =	sxor.u32 @!p1 $0xFFFFFFFF, s11;
	s17 =	smul.u32 @!p1 $0x380, s10  }
0x23: {  	s31 =	sadd.s32 $0xFFFFFFFF, s11;
	s16 =	sshll.u32 @!p1 s16, $0xD;
	s14 =	ssub.s32 @!p1 s14, s15  }
0x24: {  	s15 =	sand.u32 @!p1 $0x2000, s16;
	s16 =	sadd.s32 @!p1 s6, s17;
	s14 =	sshll.u32 @!p1 s14, $0x4  }
0x25: {  	s17 =	simm.s32 @!p1 $0x1C00;
	s14 =	sadd.s32 @!p1 s14, s16;
	s16 =	simm.s32 @!p1 $0x40  }
0x26: {  	[tilespmem:s15], [sflag:$0x1] =	stream.strided.gather @!p1 [hbm4b:s14+s16], $0x2000, s17, s16, $0x38;
	[tilespmem:$0x8080] =	vst v63  }
0x27: {  	p1 =	sge.u32 s31, s5  }
.Ltmp2:
0x28: {  	_ = 	snop;
	(pc) =	sbr.rel @p1 .LBB1_5-.Ltmp2, $1  }
0x29: {  	_ =	sdelay $0x3  }
0x2a: {  	s14 =	simm.s32 $0x1  }
0x2b: {  	_ =	swait.ge [sflag:s4], $0x2000;
	s14 =	simm.s32 @!p0 $0x0  }
0x2c: {  	[sflag:s4] =	ssyncset.done $0x0;
	s15 =	sshll.u32 s14, $0xD  }
0x2d: {  	[sflag:s4] =	ssyncadd.s32 $0xFFFFE000;
	s18 =	sor.u32 $0x20, s15  }
0x2e: {  	s14 =	smul.u32 $0x8100, s14;
	v3 =	vld [tilespmem:s18+$0x10]  }
0x2f: {  	s30 =	sand.u32 $0x1, s11;
	v2 =	vld [tilespmem:s18+$0xFFFFFFF0]  }
0x30: {  	s15 =	smul.u32 $0x8100, s30;
	s14 =	sshrl.u32 s14, $0x2;
	v0 =	vld [tilespmem:s18+$0x0]  }
0x31: {  	v1 =	vld [tilespmem:s18+$0xFFFFFFE0];
	s16 =	sor.u32 $0x4000, s14  }
0x32: {  	s31 =	sshrl.u32 s15, $0x2;
	s15 =	sadd.s32 $0x0, s16  }
0x33: {  	s17 =	simm.s32 $0x4;
	s18 =	sadd.s32 $0x40, s18;
	s14 =	sor.u32 $0x4000, s31;
	[tilespmem:s15+$0x1830 ss:$0x81] =	vst.msk $0xffff, v3  }
.LBB1_3:
0x34: {  	v3 =	vld [tilespmem:s18+$0x10];
	p1 =	sne.s32 s17, $0x1FC;
	[tilespmem:s15+$0x810 ss:$0x81] =	vst.msk $0xffff, v2;
	s19 =	smov.u32 s17;
	s17 =	sadd.s32 $0x4, s17  }
.Ltmp3:
0x35: {  	v2 =	vld [tilespmem:s18+$0xFFFFFFF0];
	[tilespmem:s15+$0x1020 ss:$0x81] =	vst.msk $0xffff, v0;
	(pc) =	sbr.rel @p1 .LBB1_3-.Ltmp3, $4  }
0x36: {  	v0 =	vld [tilespmem:s18+$0x0];
	[tilespmem:s15+$0x0 ss:$0x81] =	vst.msk $0xffff, v1  }
0x37: {  	s15 =	sshra.s32 s19, $0x2;
	v1 =	vld [tilespmem:s18+$0xFFFFFFE0]  }
0x38: {  	s15 =	sadd.s32 s15, s16  }
0x39: {  	s18 =	sadd.s32 $0x40, s18;
	[tilespmem:s15+$0x1830 ss:$0x81] =	vst.msk $0xffff, v3  }
.Ltmp4:
0x3a: {  	_ = 	snop;
	(pc) =	sbr.rel .LBB1_4-.Ltmp4, $1  }
0x3b: {  	_ =	sdelay $0x3  }
.LBB1_6:
0x3c: {  	_ =	sfence.sel $0x180000  }
0x3d: {  	s2 =	simm.s32 $0x1;
	[bflag:$0x0] =	sbarrier.arrive $0xFFFF  }
0x3e: {  	s31 =	simm.s32 $0x2;
	[sflag:s2] =	ssyncpa.u1 $0x1  }
0x3f: {  	[sflag:s31] =	ssyncpa.u1 $0x1  }
0x40: {  	p0 =	sne.s32 s0, $0x0;
	_ =	strace $0x9000004A  }
0x41: {  	s0 =	sadd.s32 @!p0 $0x100000, s1;
	[bflag:$0x2] =	sbarrier.arrive $0xFFFF  }
0x42: {  	[sflag:s0] =	ssyncadd.tile.s32 @!p0 $0x1;
	_ =	shalt  }
.Lfunc_end1:
_tile_overlayer_lowered:
.L_overlay_start_2:
0x43: {  	(tag) =	ssettag $0x2  }
0x44: {  	s0 =	rddreg [dreg:$0x0];
	s2 =	stileid.u32  }
0x45: {  	s1 =	rddreg [dreg:$0x1];
	p0 =	sne.s32 s2, $0x0  }
0x46: {  	s3 =	rddreg [dreg:$0x2];
	[bflag:$0x3] =	sbarrier.arrive $0xFFFF;
	s2 =	simm.s32 @!p0 $0x1C01  }
0x47: {  	[timem:s3], [sflag:s2] =	dma.local @!p0 [hbm:s0], s1  }
0x48: {  	s0 =	simm.s32 @!p0 $0x1  }
0x49: {  	_ =	swait.ge @!p0 [sflag:s0], s1  }
0x4a: {  	s1 =	ssub.s32 @!p0 $0x0, s1;
	[sflag:s0] =	ssyncset.done @!p0 $0x0  }
0x4b: {  	[sflag:s0] =	ssyncadd.s32 @!p0 s1  }
0x4c: {  	[bflag:$0x3] =	sbarrier.arrive $0xFFFF  }
0x4d: {  	_ =	shalt  }

</sc_bundles>
